<compile_context>
chip_gen: v7x
topology: tpu7x:2x2x1
jax: 0.10.2.dev20260603
libtpu: 0.0.44.dev20260713+nightly
codegen_flags: <defaults>
</compile_context>

<pallas_src>
import functools

import jax
import jax.numpy as jnp
from jax import lax
from jax.experimental import pallas as pl
from jax.experimental.pallas import tpu as pltpu
from jax.experimental.pallas import tpu_sc as plsc

B = 16384
D = 64
NC = 2
NS = 16
NW = NC * NS
BPW = B // NW

CB = 16384
CB2 = 8192


def _round_half(v, cb):
    h = (v + 1) // 2
    return ((h + cb - 1) // cb) * cb


def _tc_repack(table_t, half):
    grid = half // CB

    def body(lo_ref, hi_ref, o_ref):
        o_ref[...] = jnp.concatenate([lo_ref[...], hi_ref[...]], axis=0).T

    hi_blocks = half // CB
    last_block = (table_t.shape[1] - 1) // CB
    return pl.pallas_call(
        body,
        grid=(grid,),
        in_specs=[
            pl.BlockSpec((D, CB), lambda k: (0, k)),
            pl.BlockSpec((D, CB),
                         lambda k: (0, jnp.minimum(k + hi_blocks, last_block))),
        ],
        out_specs=pl.BlockSpec((CB, 2 * D), lambda k: (k, 0)),
        out_shape=jax.ShapeDtypeStruct((half, 2 * D), jnp.float32),
    )(table_t, table_t)


def _tc_repack_pair(ta_t, tb_t, half):
    grid = half // CB2

    def body(alo_ref, ahi_ref, blo_ref, bhi_ref, oa_ref, ob_ref):
        oa_ref[...] = jnp.concatenate([alo_ref[...], ahi_ref[...]], axis=0).T
        ob_ref[...] = jnp.concatenate([blo_ref[...], bhi_ref[...]], axis=0).T

    hi_blocks = half // CB2
    last_a = (ta_t.shape[1] - 1) // CB2
    last_b = (tb_t.shape[1] - 1) // CB2
    lo_spec = pl.BlockSpec((D, CB2), lambda k: (0, k))
    out_spec = pl.BlockSpec((CB2, 2 * D), lambda k: (k, 0))
    return pl.pallas_call(
        body,
        grid=(grid,),
        in_specs=[
            lo_spec,
            pl.BlockSpec((D, CB2),
                         lambda k: (0, jnp.minimum(k + hi_blocks, last_a))),
            lo_spec,
            pl.BlockSpec((D, CB2),
                         lambda k: (0, jnp.minimum(k + hi_blocks, last_b))),
        ],
        out_specs=[out_spec, out_spec],
        out_shape=[jax.ShapeDtypeStruct((half, 2 * D), jnp.float32),
                   jax.ShapeDtypeStruct((half, 2 * D), jnp.float32)],
    )(ta_t, ta_t, tb_t, tb_t)


def _sc_entity_ids(i_ids, item_map):
    mesh = plsc.VectorSubcoreMesh(core_axis_name="c", subcore_axis_name="s")

    @functools.partial(
        pl.kernel,
        mesh=mesh,
        out_type=jax.ShapeDtypeStruct((B,), jnp.int32),
        compiler_params=pltpu.CompilerParams(use_tc_tiling_on_sc=False),
        scratch_types=[
            pltpu.VMEM((BPW,), jnp.int32),
            pltpu.VMEM((BPW,), jnp.int32),
            pltpu.SemaphoreType.DMA,
        ],
    )
    def ka(i_ids_h, map_h, evar_out, iidx, evar_v, s0):
        wid = lax.axis_index("s") * NC + lax.axis_index("c")
        base = wid * BPW
        pltpu.sync_copy(i_ids_h.at[pl.ds(base, BPW)], iidx)
        pltpu.async_copy(map_h.at[iidx], evar_v, s0).wait()
        pltpu.sync_copy(evar_v, evar_out.at[pl.ds(base, BPW)])

    return ka(i_ids, item_map)


def _sc_gather2(ids_a, ids_b, t2_a, t2_b, half_a, half_b):
    mesh = plsc.VectorSubcoreMesh(core_axis_name="c", subcore_axis_name="s")
    out_types = (
        jax.ShapeDtypeStruct((B, 2 * D), jnp.float32),
        jax.ShapeDtypeStruct((B, 2 * D), jnp.float32),
    )

    @functools.partial(
        pl.kernel,
        mesh=mesh,
        out_type=out_types,
        scratch_types=[
            pltpu.VMEM((BPW,), jnp.int32),
            pltpu.VMEM((BPW,), jnp.int32),
            pltpu.VMEM((BPW, 2 * D), jnp.float32),
            pltpu.SemaphoreType.DMA,
        ],
    )
    def kb(a_ids_h, b_ids_h, a2_h, b2_h, a_out, b_out,
           ah, bh, rows, sa):
        wid = lax.axis_index("s") * NC + lax.axis_index("c")
        base = wid * BPW
        pltpu.sync_copy(a_ids_h.at[pl.ds(base, BPW)], ah)
        pltpu.sync_copy(b_ids_h.at[pl.ds(base, BPW)], bh)

        @pl.loop(0, BPW, step=16)
        def _(c):
            slc = pl.ds(c, 16)
            av = ah[slc]
            ah[slc] = av - jnp.where(av >= half_a, half_a, 0)
            bv = bh[slc]
            bh[slc] = bv - jnp.where(bv >= half_b, half_b, 0)

        pltpu.async_copy(a2_h.at[ah], rows, sa).wait()
        pltpu.sync_copy(rows, a_out.at[pl.ds(base, BPW)])
        pltpu.async_copy(b2_h.at[bh], rows, sa).wait()
        pltpu.sync_copy(rows, b_out.at[pl.ds(base, BPW)])

    return kb(ids_a, ids_b, t2_a, t2_b)


def _sc_gather1(ids_a, t2_a, half_a):
    mesh = plsc.VectorSubcoreMesh(core_axis_name="c", subcore_axis_name="s")

    @functools.partial(
        pl.kernel,
        mesh=mesh,
        out_type=jax.ShapeDtypeStruct((B, 2 * D), jnp.float32),
        scratch_types=[
            pltpu.VMEM((BPW,), jnp.int32),
            pltpu.VMEM((BPW, 2 * D), jnp.float32),
            pltpu.SemaphoreType.DMA,
        ],
    )
    def kb(a_ids_h, a2_h, a_out, ah, rows_a, sa):
        wid = lax.axis_index("s") * NC + lax.axis_index("c")
        base = wid * BPW
        pltpu.sync_copy(a_ids_h.at[pl.ds(base, BPW)], ah)

        @pl.loop(0, BPW, step=16)
        def _(c):
            slc = pl.ds(c, 16)
            av = ah[slc]
            ah[slc] = av - jnp.where(av >= half_a, half_a, 0)

        pltpu.async_copy(a2_h.at[ah], rows_a, sa).wait()
        pltpu.sync_copy(rows_a, a_out.at[pl.ds(base, BPW)])

    return kb(ids_a, t2_a)


def _tc_score(u_pair, i_pair, e_pair, ids3, uh, ih, eh):
    def body(u_ref, i_ref, e_ref, ids_ref, o_ref):
        ids = ids_ref[...]

        def sel(pair, col, half):
            return jnp.where(ids[:, col:col + 1] >= half,
                             pair[:, D:], pair[:, :D])

        u = sel(u_ref[...], 0, uh)
        ie = sel(i_ref[...], 1, ih) + sel(e_ref[...], 2, eh)
        o_ref[...] = jnp.sum(u * ie, axis=-1)

    blk = 4096
    grid = B // blk
    pair_spec = pl.BlockSpec((blk, 2 * D), lambda i: (i, 0))
    return pl.pallas_call(
        body,
        grid=(grid,),
        in_specs=[pair_spec, pair_spec, pair_spec,
                  pl.BlockSpec((blk, 3), lambda i: (i, 0))],
        out_specs=pl.BlockSpec((blk,), lambda i: (i,)),
        out_shape=jax.ShapeDtypeStruct((B,), jnp.float32),
    )(u_pair, i_pair, e_pair, ids3)


def kernel(u_ids, i_ids, user_emb, item_emb, ent_emb, item_map):
    u_ids = u_ids.astype(jnp.int32)
    i_ids = i_ids.astype(jnp.int32)
    U = user_emb.shape[0]
    I = item_emb.shape[0]
    E = ent_emb.shape[0]
    uh = _round_half(U, CB)
    ih, eh = _round_half(I, CB2), _round_half(E, CB2)
    evar = _sc_entity_ids(i_ids, item_map.astype(jnp.int32))
    if ih == eh:
        i2, e2 = _tc_repack_pair(item_emb.T, ent_emb.T, ih)
    else:
        i2 = _tc_repack(item_emb.T, ih)
        e2 = _tc_repack(ent_emb.T, eh)
    i_pair, e_pair = _sc_gather2(i_ids, evar, i2, e2, ih, eh)
    u2 = _tc_repack(user_emb.T, uh)
    u_pair = _sc_gather1(u_ids, u2, uh)
    ids3 = jnp.stack([u_ids, i_ids, evar], axis=1)
    return _tc_score(u_pair, i_pair, e_pair, ids3, uh, ih, eh)

# --- scband reference (transcript-rebuilt; emitter-appended) ---
"""Pipeline reference for scband-ckemodel-48610439856549 (READ-ONLY COPY).

The authoritative reference and input builder live on the scoring server;
editing this copy changes nothing except your own understanding.
"""

import jax, jax.numpy as jnp
import numpy as np

B = 16384
U = 1000000      # user_total
I = 100000       # item_total
ENT = 100000 + 1 # entity_total + 1
D = 64           # embedding_size

def setup_inputs(seed: int = 0) -> dict:
    key = jax.random.key(seed)
    k1, k2, k3, k4, k5, k6 = jax.random.split(key, 6)
    u_ids = jax.random.randint(k1, (B,), 0, U)
    i_ids = jax.random.randint(k2, (B,), 0, I)
    # learned embedding tables (GlorotNormal-ish scale)
    user_emb = jax.random.normal(k3, (U, D), dtype=jnp.float32) * 0.02
    item_emb = jax.random.normal(k4, (I, D), dtype=jnp.float32) * 0.02
    ent_emb = jax.random.normal(k5, (ENT, D), dtype=jnp.float32) * 0.02
    # static hash table item_id -> entity_id (default = ENT-1 padding),
    # materialized as a dense int lookup array over the item vocab
    item_map = jax.random.randint(k6, (I,), 0, ENT)
    return {"u_ids": u_ids, "i_ids": i_ids, "user_emb": user_emb,
            "item_emb": item_emb, "ent_emb": ent_emb, "item_map": item_map}

def reference(u_ids, i_ids, user_emb, item_emb, ent_emb, item_map):
    # is_rec=True branch of CKEModel.call
    e_var = jnp.take(item_map, i_ids, axis=0)          # paddingItems.lookup
    u_e = jnp.take(user_emb, u_ids, axis=0)            # user_embeddings
    i_e = jnp.take(item_emb, i_ids, axis=0)            # item_embeddings
    e_e = jnp.take(ent_emb, e_var, axis=0)             # ent_embeddings
    ie_e = i_e + e_e
    score = jnp.sum(u_e * ie_e, axis=-1)
    return score

if __name__ == "__main__":
    import jax
    _d = setup_inputs()
    print(jax.jit(kernel)(*tuple(_d.values())))

</pallas_src>

<mosaic_0001>
#map = affine_map<(d0, d1) -> (0)>
module attributes {stable_mosaic.version = 14 : i64} {
  func.func @ka(%arg0: i32, %arg1: i32, %arg2: memref<16384xi32, #tpu.memory_space<hbm>>, %arg3: memref<100000xi32, #tpu.memory_space<hbm>>, %arg4: memref<16384xi32, #tpu.memory_space<hbm>>, %arg5: memref<512xi32, #tpu.memory_space<vmem>>, %arg6: memref<512xi32, #tpu.memory_space<vmem>>, %arg7: memref<!tpu.dma_semaphore, #tpu.memory_space<semaphore_mem>>) attributes {dimension_semantics = [#tpu.dimension_semantics<core_parallel>, #tpu.dimension_semantics<subcore_parallel>], iteration_bounds = array<i64: 2, 16>, scalar_prefetch = 0 : i64, scratch_operands = 3 : i64, tpu.core_type = #tpu.core_type<sc_vector_subcore>, window_params = [{transform_indices = #map}, {transform_indices = #map}, {transform_indices = #map}]} {
    %mul3A = arith.constant 2 : i32
    %mul3A_0 = arith.muli %arg1, %mul3A : i32
    %add3A = arith.addi %mul3A_0, %arg0 : i32
    %mul3A_1 = arith.constant 512 : i32
    %mul3A_2 = arith.muli %add3A, %mul3A_1 : i32
    "tpu.region"() ({
      %run_scoped3A = tpu.sem_alloc : memref<!tpu.dma_semaphore, #tpu.memory_space<semaphore_mem>>
      %dma_start3A_5 = tpu.memref_slice %arg2[%mul3A_2] : memref<16384xi32, #tpu.memory_space<hbm>> -> memref<512xi32, #tpu.memory_space<hbm>>
      %dma_start3A_6 = tpu.memref_slice %arg2[%mul3A_2] : memref<16384xi32, #tpu.memory_space<hbm>> -> memref<512xi32, #tpu.memory_space<hbm>>
      tpu.enqueue_dma source(%dma_start3A_6 : memref<512xi32, #tpu.memory_space<hbm>>) target(%arg5 : memref<512xi32, #tpu.memory_space<vmem>>) target_semaphore(%run_scoped3A : memref<!tpu.dma_semaphore, #tpu.memory_space<semaphore_mem>>)
      %dma_wait3A_7 = tpu.memref_slice %arg2[%mul3A_2] : memref<16384xi32, #tpu.memory_space<hbm>> -> memref<512xi32, #tpu.memory_space<hbm>>
      %dma_wait3A_8 = tpu.memref_slice %arg2[%mul3A_2] : memref<16384xi32, #tpu.memory_space<hbm>> -> memref<512xi32, #tpu.memory_space<hbm>>
      tpu.wait_dma2 semaphore(%run_scoped3A : memref<!tpu.dma_semaphore, #tpu.memory_space<semaphore_mem>>) src(%dma_wait3A_8 : memref<512xi32, #tpu.memory_space<hbm>>) dst(%arg5 : memref<512xi32, #tpu.memory_space<vmem>>)
      tpu.yield
    }) : () -> ()
    %dma_start3A = arith.constant 0 : i32
    %dma_start3A_3 = tpu.memref_slice %arg3[%dma_start3A] : memref<100000xi32, #tpu.memory_space<hbm>> -> memref<100000xi32, #tpu.memory_space<hbm>>
    tpu.enqueue_indirect_dma source(%dma_start3A_3 : memref<100000xi32, #tpu.memory_space<hbm>>) target(%arg6 : memref<512xi32, #tpu.memory_space<vmem>>) offsets(%arg5 : memref<512xi32, #tpu.memory_space<vmem>>) semaphore(%arg7 : memref<!tpu.dma_semaphore, #tpu.memory_space<semaphore_mem>>)
    %dma_wait3A = arith.constant 0 : i32
    %dma_wait3A_4 = tpu.memref_slice %arg3[%dma_wait3A] : memref<100000xi32, #tpu.memory_space<hbm>> -> memref<100000xi32, #tpu.memory_space<hbm>>
    tpu.wait_indirect_dma semaphore(%arg7 : memref<!tpu.dma_semaphore, #tpu.memory_space<semaphore_mem>>) src(%dma_wait3A_4 : memref<100000xi32, #tpu.memory_space<hbm>>) dst(%arg6 : memref<512xi32, #tpu.memory_space<vmem>>)
    "tpu.region"() ({
      %run_scoped3A = tpu.sem_alloc : memref<!tpu.dma_semaphore, #tpu.memory_space<semaphore_mem>>
      %dma_start3A_5 = tpu.memref_slice %arg4[%mul3A_2] : memref<16384xi32, #tpu.memory_space<hbm>> -> memref<512xi32, #tpu.memory_space<hbm>>
      %dma_start3A_6 = tpu.memref_slice %arg4[%mul3A_2] : memref<16384xi32, #tpu.memory_space<hbm>> -> memref<512xi32, #tpu.memory_space<hbm>>
      tpu.enqueue_dma source(%arg6 : memref<512xi32, #tpu.memory_space<vmem>>) target(%dma_start3A_6 : memref<512xi32, #tpu.memory_space<hbm>>) target_semaphore(%run_scoped3A : memref<!tpu.dma_semaphore, #tpu.memory_space<semaphore_mem>>)
      %dma_wait3A_7 = tpu.memref_slice %arg4[%mul3A_2] : memref<16384xi32, #tpu.memory_space<hbm>> -> memref<512xi32, #tpu.memory_space<hbm>>
      %dma_wait3A_8 = tpu.memref_slice %arg4[%mul3A_2] : memref<16384xi32, #tpu.memory_space<hbm>> -> memref<512xi32, #tpu.memory_space<hbm>>
      tpu.wait_dma2 semaphore(%run_scoped3A : memref<!tpu.dma_semaphore, #tpu.memory_space<semaphore_mem>>) src(%arg6 : memref<512xi32, #tpu.memory_space<vmem>>) dst(%dma_wait3A_8 : memref<512xi32, #tpu.memory_space<hbm>>)
      tpu.yield
    }) : () -> ()
    return
  }
}

#map = affine_map<(d0, d1) -> (0)>
#map1 = affine_map<(d0, d1) -> (0, 0)>
module attributes {stable_mosaic.version = 14 : i64} {
  func.func @kb(%arg0: i32, %arg1: i32, %arg2: memref<16384xi32, #tpu.memory_space<hbm>>, %arg3: memref<507904x128xf32, #tpu.memory_space<hbm>>, %arg4: memref<16384x128xf32, #tpu.memory_space<hbm>>, %arg5: memref<512xi32, #tpu.memory_space<vmem>>, %arg6: memref<512x128xf32, #tpu.memory_space<vmem>>, %arg7: memref<!tpu.dma_semaphore, #tpu.memory_space<semaphore_mem>>) attributes {dimension_semantics = [#tpu.dimension_semantics<core_parallel>, #tpu.dimension_semantics<subcore_parallel>], iteration_bounds = array<i64: 2, 16>, scalar_prefetch = 0 : i64, scratch_operands = 3 : i64, tpu.core_type = #tpu.core_type<sc_vector_subcore>, window_params = [{transform_indices = #map}, {transform_indices = #map1}, {transform_indices = #map1}]} {
    %mul3A = arith.constant 2 : i32
    %mul3A_0 = arith.muli %arg1, %mul3A : i32
    %add3A = arith.addi %mul3A_0, %arg0 : i32
    %mul3A_1 = arith.constant 512 : i32
    %mul3A_2 = arith.muli %add3A, %mul3A_1 : i32
    "tpu.region"() ({
      %run_scoped3A = tpu.sem_alloc : memref<!tpu.dma_semaphore, #tpu.memory_space<semaphore_mem>>
      %dma_start3A_11 = tpu.memref_slice %arg2[%mul3A_2] : memref<16384xi32, #tpu.memory_space<hbm>> -> memref<512xi32, #tpu.memory_space<hbm>>
      %dma_start3A_12 = tpu.memref_slice %arg2[%mul3A_2] : memref<16384xi32, #tpu.memory_space<hbm>> -> memref<512xi32, #tpu.memory_space<hbm>>
      tpu.enqueue_dma source(%dma_start3A_12 : memref<512xi32, #tpu.memory_space<hbm>>) target(%arg5 : memref<512xi32, #tpu.memory_space<vmem>>) target_semaphore(%run_scoped3A : memref<!tpu.dma_semaphore, #tpu.memory_space<semaphore_mem>>)
      %dma_wait3A_13 = tpu.memref_slice %arg2[%mul3A_2] : memref<16384xi32, #tpu.memory_space<hbm>> -> memref<512xi32, #tpu.memory_space<hbm>>
      %dma_wait3A_14 = tpu.memref_slice %arg2[%mul3A_2] : memref<16384xi32, #tpu.memory_space<hbm>> -> memref<512xi32, #tpu.memory_space<hbm>>
      tpu.wait_dma2 semaphore(%run_scoped3A : memref<!tpu.dma_semaphore, #tpu.memory_space<semaphore_mem>>) src(%dma_wait3A_14 : memref<512xi32, #tpu.memory_space<hbm>>) dst(%arg5 : memref<512xi32, #tpu.memory_space<vmem>>)
      tpu.yield
    }) : () -> ()
    %scan3A = arith.constant 0 : i32
    %scan3A_3 = arith.constant 32 : i32
    %scan3A_4 = arith.addi %scan3A, %scan3A_3 : i32
    %scan3A_5 = arith.constant 1 : i32
    scf.for %scan3A_11 = %scan3A to %scan3A_4 step %scan3A_5  : i32 {
      %mul3A_12 = arith.constant 16 : i32
      %mul3A_13 = arith.muli %scan3A_11, %mul3A_12 : i32
      %add3A_14 = arith.constant 0 : i32
      %add3A_15 = arith.addi %add3A_14, %mul3A_13 : i32
      %get3A = arith.index_cast %add3A_15 : i32 to index
      %get3A_16 = tpu.vector_load %arg5[%get3A] {strides = array<i32>} : memref<512xi32, #tpu.memory_space<vmem>>, vector<16xi32>,
      %get3A_17 = vector.shape_cast %get3A_16 : vector<16xi32> to vector<16xi32>
      %ge3A = arith.constant 507904 : i32
      %ge3A_18 = vector.broadcast %ge3A : i32 to vector<16xi32>
      %ge3A_19 = arith.cmpi sge, %get3A_17, %ge3A_18 : vector<16xi32>
      %jit3A = arith.constant 507904 : i32
      %jit3A_20 = arith.constant 0 : i32
      %broadcast_in_dim3A = vector.broadcast %jit3A : i32 to vector<16xi32>
      %broadcast_in_dim3A_21 = vector.broadcast %jit3A_20 : i32 to vector<16xi32>
      %select_n3A = arith.select %ge3A_19, %broadcast_in_dim3A, %broadcast_in_dim3A_21 : vector<16xi1>, vector<16xi32>
      %sub3A = arith.subi %get3A_17, %select_n3A : vector<16xi32>
      %swap3A = arith.index_cast %add3A_15 : i32 to index
      %swap3A_22 = tpu.vector_load %arg5[%swap3A] {strides = array<i32>} : memref<512xi32, #tpu.memory_space<vmem>>, vector<16xi32>,
      %swap3A_23 = vector.shape_cast %swap3A_22 : vector<16xi32> to vector<16xi32>
      %swap3A_24 = vector.shape_cast %sub3A : vector<16xi32> to vector<16xi32>
      tpu.vector_store %arg5[%swap3A], %swap3A_24 {strides = array<i32>} : memref<512xi32, #tpu.memory_space<vmem>>, vector<16xi32>,
    }
    %scan3A_6 = arith.constant 32 : i32
    %dma_start3A = arith.constant 0 : i32
    %dma_start3A_7 = arith.constant 0 : i32
    %dma_start3A_8 = tpu.memref_slice %arg3[%dma_start3A, %dma_start3A_7] : memref<507904x128xf32, #tpu.memory_space<hbm>> -> memref<507904x128xf32, #tpu.memory_space<hbm>>
    tpu.enqueue_indirect_dma source(%dma_start3A_8 : memref<507904x128xf32, #tpu.memory_space<hbm>>) target(%arg6 : memref<512x128xf32, #tpu.memory_space<vmem>>) offsets(%arg5 : memref<512xi32, #tpu.memory_space<vmem>>) semaphore(%arg7 : memref<!tpu.dma_semaphore, #tpu.memory_space<semaphore_mem>>)
    %dma_wait3A = arith.constant 0 : i32
    %dma_wait3A_9 = arith.constant 0 : i32
    %dma_wait3A_10 = tpu.memref_slice %arg3[%dma_wait3A, %dma_wait3A_9] : memref<507904x128xf32, #tpu.memory_space<hbm>> -> memref<507904x128xf32, #tpu.memory_space<hbm>>
    tpu.wait_indirect_dma semaphore(%arg7 : memref<!tpu.dma_semaphore, #tpu.memory_space<semaphore_mem>>) src(%dma_wait3A_10 : memref<507904x128xf32, #tpu.memory_space<hbm>>) dst(%arg6 : memref<512x128xf32, #tpu.memory_space<vmem>>)
    "tpu.region"() ({
      %run_scoped3A = tpu.sem_alloc : memref<!tpu.dma_semaphore, #tpu.memory_space<semaphore_mem>>
      %dma_start3A_11 = arith.constant 0 : i32
      %dma_start3A_12 = tpu.memref_slice %arg4[%mul3A_2, %dma_start3A_11] : memref<16384x128xf32, #tpu.memory_space<hbm>> -> memref<512x128xf32, #tpu.memory_space<hbm>>
      %dma_start3A_13 = arith.constant 0 : i32
      %dma_start3A_14 = tpu.memref_slice %arg4[%mul3A_2, %dma_start3A_13] : memref<16384x128xf32, #tpu.memory_space<hbm>> -> memref<512x128xf32, #tpu.memory_space<hbm>>
      tpu.enqueue_dma source(%arg6 : memref<512x128xf32, #tpu.memory_space<vmem>>) target(%dma_start3A_14 : memref<512x128xf32, #tpu.memory_space<hbm>>) target_semaphore(%run_scoped3A : memref<!tpu.dma_semaphore, #tpu.memory_space<semaphore_mem>>)
      %dma_wait3A_15 = arith.constant 0 : i32
      %dma_wait3A_16 = tpu.memref_slice %arg4[%mul3A_2, %dma_wait3A_15] : memref<16384x128xf32, #tpu.memory_space<hbm>> -> memref<512x128xf32, #tpu.memory_space<hbm>>
      %dma_wait3A_17 = arith.constant 0 : i32
      %dma_wait3A_18 = tpu.memref_slice %arg4[%mul3A_2, %dma_wait3A_17] : memref<16384x128xf32, #tpu.memory_space<hbm>> -> memref<512x128xf32, #tpu.memory_space<hbm>>
      tpu.wait_dma2 semaphore(%run_scoped3A : memref<!tpu.dma_semaphore, #tpu.memory_space<semaphore_mem>>) src(%arg6 : memref<512x128xf32, #tpu.memory_space<vmem>>) dst(%dma_wait3A_18 : memref<512x128xf32, #tpu.memory_space<hbm>>)
      tpu.yield
    }) : () -> ()
    return
  }
}

#map = affine_map<(d0, d1) -> (0)>
#map1 = affine_map<(d0, d1) -> (0, 0)>
module attributes {stable_mosaic.version = 14 : i64} {
  func.func @kb(%arg0: i32, %arg1: i32, %arg2: memref<16384xi32, #tpu.memory_space<hbm>>, %arg3: memref<16384xi32, #tpu.memory_space<hbm>>, %arg4: memref<57344x128xf32, #tpu.memory_space<hbm>>, %arg5: memref<57344x128xf32, #tpu.memory_space<hbm>>, %arg6: memref<16384x128xf32, #tpu.memory_space<hbm>>, %arg7: memref<16384x128xf32, #tpu.memory_space<hbm>>, %arg8: memref<512xi32, #tpu.memory_space<vmem>>, %arg9: memref<512xi32, #tpu.memory_space<vmem>>, %arg10: memref<512x128xf32, #tpu.memory_space<vmem>>, %arg11: memref<!tpu.dma_semaphore, #tpu.memory_space<semaphore_mem>>) attributes {dimension_semantics = [#tpu.dimension_semantics<core_parallel>, #tpu.dimension_semantics<subcore_parallel>], iteration_bounds = array<i64: 2, 16>, scalar_prefetch = 0 : i64, scratch_operands = 4 : i64, tpu.core_type = #tpu.core_type<sc_vector_subcore>, window_params = [{transform_indices = #map}, {transform_indices = #map}, {transform_indices = #map1}, {transform_indices = #map1}, {transform_indices = #map1}, {transform_indices = #map1}]} {
    %mul3A = arith.constant 2 : i32
    %mul3A_0 = arith.muli %arg1, %mul3A : i32
    %add3A = arith.addi %mul3A_0, %arg0 : i32
    %mul3A_1 = arith.constant 512 : i32
    %mul3A_2 = arith.muli %add3A, %mul3A_1 : i32
    "tpu.region"() ({
      %run_scoped3A = tpu.sem_alloc : memref<!tpu.dma_semaphore, #tpu.memory_space<semaphore_mem>>
      %dma_start3A_17 = tpu.memref_slice %arg2[%mul3A_2] : memref<16384xi32, #tpu.memory_space<hbm>> -> memref<512xi32, #tpu.memory_space<hbm>>
      %dma_start3A_18 = tpu.memref_slice %arg2[%mul3A_2] : memref<16384xi32, #tpu.memory_space<hbm>> -> memref<512xi32, #tpu.memory_space<hbm>>
      tpu.enqueue_dma source(%dma_start3A_18 : memref<512xi32, #tpu.memory_space<hbm>>) target(%arg8 : memref<512xi32, #tpu.memory_space<vmem>>) target_semaphore(%run_scoped3A : memref<!tpu.dma_semaphore, #tpu.memory_space<semaphore_mem>>)
      %dma_wait3A_19 = tpu.memref_slice %arg2[%mul3A_2] : memref<16384xi32, #tpu.memory_space<hbm>> -> memref<512xi32, #tpu.memory_space<hbm>>
      %dma_wait3A_20 = tpu.memref_slice %arg2[%mul3A_2] : memref<16384xi32, #tpu.memory_space<hbm>> -> memref<512xi32, #tpu.memory_space<hbm>>
      tpu.wait_dma2 semaphore(%run_scoped3A : memref<!tpu.dma_semaphore, #tpu.memory_space<semaphore_mem>>) src(%dma_wait3A_20 : memref<512xi32, #tpu.memory_space<hbm>>) dst(%arg8 : memref<512xi32, #tpu.memory_space<vmem>>)
      tpu.yield
    }) : () -> ()
    "tpu.region"() ({
      %run_scoped3A = tpu.sem_alloc : memref<!tpu.dma_semaphore, #tpu.memory_space<semaphore_mem>>
      %dma_start3A_17 = tpu.memref_slice %arg3[%mul3A_2] : memref<16384xi32, #tpu.memory_space<hbm>> -> memref<512xi32, #tpu.memory_space<hbm>>
      %dma_start3A_18 = tpu.memref_slice %arg3[%mul3A_2] : memref<16384xi32, #tpu.memory_space<hbm>> -> memref<512xi32, #tpu.memory_space<hbm>>
      tpu.enqueue_dma source(%dma_start3A_18 : memref<512xi32, #tpu.memory_space<hbm>>) target(%arg9 : memref<512xi32, #tpu.memory_space<vmem>>) target_semaphore(%run_scoped3A : memref<!tpu.dma_semaphore, #tpu.memory_space<semaphore_mem>>)
      %dma_wait3A_19 = tpu.memref_slice %arg3[%mul3A_2] : memref<16384xi32, #tpu.memory_space<hbm>> -> memref<512xi32, #tpu.memory_space<hbm>>
      %dma_wait3A_20 = tpu.memref_slice %arg3[%mul3A_2] : memref<16384xi32, #tpu.memory_space<hbm>> -> memref<512xi32, #tpu.memory_space<hbm>>
      tpu.wait_dma2 semaphore(%run_scoped3A : memref<!tpu.dma_semaphore, #tpu.memory_space<semaphore_mem>>) src(%dma_wait3A_20 : memref<512xi32, #tpu.memory_space<hbm>>) dst(%arg9 : memref<512xi32, #tpu.memory_space<vmem>>)
      tpu.yield
    }) : () -> ()
    %scan3A = arith.constant 0 : i32
    %scan3A_3 = arith.constant 32 : i32
    %scan3A_4 = arith.addi %scan3A, %scan3A_3 : i32
    %scan3A_5 = arith.constant 1 : i32
    scf.for %scan3A_17 = %scan3A to %scan3A_4 step %scan3A_5  : i32 {
      %mul3A_18 = arith.constant 16 : i32
      %mul3A_19 = arith.muli %scan3A_17, %mul3A_18 : i32
      %add3A_20 = arith.constant 0 : i32
      %add3A_21 = arith.addi %add3A_20, %mul3A_19 : i32
      %get3A = arith.index_cast %add3A_21 : i32 to index
      %get3A_22 = tpu.vector_load %arg8[%get3A] {strides = array<i32>} : memref<512xi32, #tpu.memory_space<vmem>>, vector<16xi32>,
      %get3A_23 = vector.shape_cast %get3A_22 : vector<16xi32> to vector<16xi32>
      %ge3A = arith.constant 57344 : i32
      %ge3A_24 = vector.broadcast %ge3A : i32 to vector<16xi32>
      %ge3A_25 = arith.cmpi sge, %get3A_23, %ge3A_24 : vector<16xi32>
      %jit3A = arith.constant 57344 : i32
      %jit3A_26 = arith.constant 0 : i32
      %broadcast_in_dim3A = vector.broadcast %jit3A : i32 to vector<16xi32>
      %broadcast_in_dim3A_27 = vector.broadcast %jit3A_26 : i32 to vector<16xi32>
      %select_n3A = arith.select %ge3A_25, %broadcast_in_dim3A, %broadcast_in_dim3A_27 : vector<16xi1>, vector<16xi32>
      %sub3A = arith.subi %get3A_23, %select_n3A : vector<16xi32>
      %swap3A = arith.index_cast %add3A_21 : i32 to index
      %swap3A_28 = tpu.vector_load %arg8[%swap3A] {strides = array<i32>} : memref<512xi32, #tpu.memory_space<vmem>>, vector<16xi32>,
      %swap3A_29 = vector.shape_cast %swap3A_28 : vector<16xi32> to vector<16xi32>
      %swap3A_30 = vector.shape_cast %sub3A : vector<16xi32> to vector<16xi32>
      tpu.vector_store %arg8[%swap3A], %swap3A_30 {strides = array<i32>} : memref<512xi32, #tpu.memory_space<vmem>>, vector<16xi32>,
      %get3A_31 = arith.index_cast %add3A_21 : i32 to index
      %get3A_32 = tpu.vector_load %arg9[%get3A_31] {strides = array<i32>} : memref<512xi32, #tpu.memory_space<vmem>>, vector<16xi32>,
      %get3A_33 = vector.shape_cast %get3A_32 : vector<16xi32> to vector<16xi32>
      %ge3A_34 = arith.constant 57344 : i32
      %ge3A_35 = vector.broadcast %ge3A_34 : i32 to vector<16xi32>
      %ge3A_36 = arith.cmpi sge, %get3A_33, %ge3A_35 : vector<16xi32>
      %jit3A_37 = arith.constant 57344 : i32
      %jit3A_38 = arith.constant 0 : i32
      %broadcast_in_dim3A_39 = vector.broadcast %jit3A_37 : i32 to vector<16xi32>
      %broadcast_in_dim3A_40 = vector.broadcast %jit3A_38 : i32 to vector<16xi32>
      %select_n3A_41 = arith.select %ge3A_36, %broadcast_in_dim3A_39, %broadcast_in_dim3A_40 : vector<16xi1>, vector<16xi32>
      %sub3A_42 = arith.subi %get3A_33, %select_n3A_41 : vector<16xi32>
      %swap3A_43 = arith.index_cast %add3A_21 : i32 to index
      %swap3A_44 = tpu.vector_load %arg9[%swap3A_43] {strides = array<i32>} : memref<512xi32, #tpu.memory_space<vmem>>, vector<16xi32>,
      %swap3A_45 = vector.shape_cast %swap3A_44 : vector<16xi32> to vector<16xi32>
      %swap3A_46 = vector.shape_cast %sub3A_42 : vector<16xi32> to vector<16xi32>
      tpu.vector_store %arg9[%swap3A_43], %swap3A_46 {strides = array<i32>} : memref<512xi32, #tpu.memory_space<vmem>>, vector<16xi32>,
    }
    %scan3A_6 = arith.constant 32 : i32
    %dma_start3A = arith.constant 0 : i32
    %dma_start3A_7 = arith.constant 0 : i32
    %dma_start3A_8 = tpu.memref_slice %arg4[%dma_start3A, %dma_start3A_7] : memref<57344x128xf32, #tpu.memory_space<hbm>> -> memref<57344x128xf32, #tpu.memory_space<hbm>>
    tpu.enqueue_indirect_dma source(%dma_start3A_8 : memref<57344x128xf32, #tpu.memory_space<hbm>>) target(%arg10 : memref<512x128xf32, #tpu.memory_space<vmem>>) offsets(%arg8 : memref<512xi32, #tpu.memory_space<vmem>>) semaphore(%arg11 : memref<!tpu.dma_semaphore, #tpu.memory_space<semaphore_mem>>)
    %dma_wait3A = arith.constant 0 : i32
    %dma_wait3A_9 = arith.constant 0 : i32
    %dma_wait3A_10 = tpu.memref_slice %arg4[%dma_wait3A, %dma_wait3A_9] : memref<57344x128xf32, #tpu.memory_space<hbm>> -> memref<57344x128xf32, #tpu.memory_space<hbm>>
    tpu.wait_indirect_dma semaphore(%arg11 : memref<!tpu.dma_semaphore, #tpu.memory_space<semaphore_mem>>) src(%dma_wait3A_10 : memref<57344x128xf32, #tpu.memory_space<hbm>>) dst(%arg10 : memref<512x128xf32, #tpu.memory_space<vmem>>)
    "tpu.region"() ({
      %run_scoped3A = tpu.sem_alloc : memref<!tpu.dma_semaphore, #tpu.memory_space<semaphore_mem>>
      %dma_start3A_17 = arith.constant 0 : i32
      %dma_start3A_18 = tpu.memref_slice %arg6[%mul3A_2, %dma_start3A_17] : memref<16384x128xf32, #tpu.memory_space<hbm>> -> memref<512x128xf32, #tpu.memory_space<hbm>>
      %dma_start3A_19 = arith.constant 0 : i32
      %dma_start3A_20 = tpu.memref_slice %arg6[%mul3A_2, %dma_start3A_19] : memref<16384x128xf32, #tpu.memory_space<hbm>> -> memref<512x128xf32, #tpu.memory_space<hbm>>
      tpu.enqueue_dma source(%arg10 : memref<512x128xf32, #tpu.memory_space<vmem>>) target(%dma_start3A_20 : memref<512x128xf32, #tpu.memory_space<hbm>>) target_semaphore(%run_scoped3A : memref<!tpu.dma_semaphore, #tpu.memory_space<semaphore_mem>>)
      %dma_wait3A_21 = arith.constant 0 : i32
      %dma_wait3A_22 = tpu.memref_slice %arg6[%mul3A_2, %dma_wait3A_21] : memref<16384x128xf32, #tpu.memory_space<hbm>> -> memref<512x128xf32, #tpu.memory_space<hbm>>
      %dma_wait3A_23 = arith.constant 0 : i32
      %dma_wait3A_24 = tpu.memref_slice %arg6[%mul3A_2, %dma_wait3A_23] : memref<16384x128xf32, #tpu.memory_space<hbm>> -> memref<512x128xf32, #tpu.memory_space<hbm>>
      tpu.wait_dma2 semaphore(%run_scoped3A : memref<!tpu.dma_semaphore, #tpu.memory_space<semaphore_mem>>) src(%arg10 : memref<512x128xf32, #tpu.memory_space<vmem>>) dst(%dma_wait3A_24 : memref<512x128xf32, #tpu.memory_space<hbm>>)
      tpu.yield
    }) : () -> ()
    %dma_start3A_11 = arith.constant 0 : i32
    %dma_start3A_12 = arith.constant 0 : i32
    %dma_start3A_13 = tpu.memref_slice %arg5[%dma_start3A_11, %dma_start3A_12] : memref<57344x128xf32, #tpu.memory_space<hbm>> -> memref<57344x128xf32, #tpu.memory_space<hbm>>
    tpu.enqueue_indirect_dma source(%dma_start3A_13 : memref<57344x128xf32, #tpu.memory_space<hbm>>) target(%arg10 : memref<512x128xf32, #tpu.memory_space<vmem>>) offsets(%arg9 : memref<512xi32, #tpu.memory_space<vmem>>) semaphore(%arg11 : memref<!tpu.dma_semaphore, #tpu.memory_space<semaphore_mem>>)
    %dma_wait3A_14 = arith.constant 0 : i32
    %dma_wait3A_15 = arith.constant 0 : i32
    %dma_wait3A_16 = tpu.memref_slice %arg5[%dma_wait3A_14, %dma_wait3A_15] : memref<57344x128xf32, #tpu.memory_space<hbm>> -> memref<57344x128xf32, #tpu.memory_space<hbm>>
    tpu.wait_indirect_dma semaphore(%arg11 : memref<!tpu.dma_semaphore, #tpu.memory_space<semaphore_mem>>) src(%dma_wait3A_16 : memref<57344x128xf32, #tpu.memory_space<hbm>>) dst(%arg10 : memref<512x128xf32, #tpu.memory_space<vmem>>)
    "tpu.region"() ({
      %run_scoped3A = tpu.sem_alloc : memref<!tpu.dma_semaphore, #tpu.memory_space<semaphore_mem>>
      %dma_start3A_17 = arith.constant 0 : i32
      %dma_start3A_18 = tpu.memref_slice %arg7[%mul3A_2, %dma_start3A_17] : memref<16384x128xf32, #tpu.memory_space<hbm>> -> memref<512x128xf32, #tpu.memory_space<hbm>>
      %dma_start3A_19 = arith.constant 0 : i32
      %dma_start3A_20 = tpu.memref_slice %arg7[%mul3A_2, %dma_start3A_19] : memref<16384x128xf32, #tpu.memory_space<hbm>> -> memref<512x128xf32, #tpu.memory_space<hbm>>
      tpu.enqueue_dma source(%arg10 : memref<512x128xf32, #tpu.memory_space<vmem>>) target(%dma_start3A_20 : memref<512x128xf32, #tpu.memory_space<hbm>>) target_semaphore(%run_scoped3A : memref<!tpu.dma_semaphore, #tpu.memory_space<semaphore_mem>>)
      %dma_wait3A_21 = arith.constant 0 : i32
      %dma_wait3A_22 = tpu.memref_slice %arg7[%mul3A_2, %dma_wait3A_21] : memref<16384x128xf32, #tpu.memory_space<hbm>> -> memref<512x128xf32, #tpu.memory_space<hbm>>
      %dma_wait3A_23 = arith.constant 0 : i32
      %dma_wait3A_24 = tpu.memref_slice %arg7[%mul3A_2, %dma_wait3A_23] : memref<16384x128xf32, #tpu.memory_space<hbm>> -> memref<512x128xf32, #tpu.memory_space<hbm>>
      tpu.wait_dma2 semaphore(%run_scoped3A : memref<!tpu.dma_semaphore, #tpu.memory_space<semaphore_mem>>) src(%arg10 : memref<512x128xf32, #tpu.memory_space<vmem>>) dst(%dma_wait3A_24 : memref<512x128xf32, #tpu.memory_space<hbm>>)
      tpu.yield
    }) : () -> ()
    return
  }
}

module attributes {stable_mosaic.version = 14 : i64} {
  func.func @body(%arg0: i32, %arg1: memref<64x16384xf32, #tpu.memory_space<vmem>>, %arg2: memref<64x16384xf32, #tpu.memory_space<vmem>>, %arg3: memref<16384x128xf32, #tpu.memory_space<vmem>>) attributes {dimension_semantics = [#tpu.dimension_semantics<arbitrary>], iteration_bounds = array<i64: 31>, scalar_prefetch = 0 : i64, scratch_operands = 0 : i64, tpu.core_type = #tpu.core_type<tc>, window_params = [{transform_indices = @transform_0, window_bounds = array<i64: 64, 16384>}, {transform_indices = @transform_1, window_bounds = array<i64: 64, 16384>}, {transform_indices = @transform_2, window_bounds = array<i64: 16384, 128>}]} {
    %get3A = arith.constant 0 : index
    %get3A_0 = arith.constant 0 : index
    %get3A_1 = vector.load %arg1[%get3A, %get3A_0] : memref<64x16384xf32, #tpu.memory_space<vmem>>, vector<64x16384xf32>
    %get3A_2 = arith.constant 0 : index
    %get3A_3 = arith.constant 0 : index
    %get3A_4 = vector.load %arg2[%get3A_2, %get3A_3] : memref<64x16384xf32, #tpu.memory_space<vmem>>, vector<64x16384xf32>
    %concatenate3A = tpu.concatenate %get3A_1, %get3A_4 in 0 : vector<64x16384xf32>, vector<64x16384xf32> -> vector<128x16384xf32>
    %transpose3A = tpu.transpose %concatenate3A, [1, 0] : vector<128x16384xf32> -> vector<16384x128xf32>
    %swap3A = arith.constant 0 : index
    %swap3A_5 = arith.constant 0 : index
    %swap3A_6 = vector.load %arg3[%swap3A, %swap3A_5] : memref<16384x128xf32, #tpu.memory_space<vmem>>, vector<16384x128xf32>
    tpu.vector_store %arg3[%swap3A, %swap3A_5], %transpose3A {strides = array<i32>} : memref<16384x128xf32, #tpu.memory_space<vmem>>, vector<16384x128xf32>,
    return
  }
  func.func @transform_0(%arg0: i32) -> (i32, i32) {
    %c0_i32 = arith.constant 0 : i32
    %c0_i32_0 = arith.constant 0 : i32
    return %c0_i32, %arg0 : i32, i32
  }
  func.func @transform_1(%arg0: i32) -> (i32, i32) {
    %add3A = arith.constant 31 : i32
    %add3A_0 = arith.addi %arg0, %add3A : i32
    %min3A = arith.constant 61 : i32
    %min3A_1 = arith.minsi %add3A_0, %min3A : i32
    %c0_i32 = arith.constant 0 : i32
    %c0_i32_2 = arith.constant 0 : i32
    return %c0_i32, %min3A_1 : i32, i32
  }
  func.func @transform_2(%arg0: i32) -> (i32, i32) {
    %c0_i32 = arith.constant 0 : i32
    %c0_i32_0 = arith.constant 0 : i32
    return %arg0, %c0_i32 : i32, i32
  }
}

module attributes {stable_mosaic.version = 14 : i64} {
  func.func @body(%arg0: i32, %arg1: memref<64x8192xf32, #tpu.memory_space<vmem>>, %arg2: memref<64x8192xf32, #tpu.memory_space<vmem>>, %arg3: memref<64x8192xf32, #tpu.memory_space<vmem>>, %arg4: memref<64x8192xf32, #tpu.memory_space<vmem>>, %arg5: memref<8192x128xf32, #tpu.memory_space<vmem>>, %arg6: memref<8192x128xf32, #tpu.memory_space<vmem>>) attributes {dimension_semantics = [#tpu.dimension_semantics<arbitrary>], iteration_bounds = array<i64: 7>, scalar_prefetch = 0 : i64, scratch_operands = 0 : i64, tpu.core_type = #tpu.core_type<tc>, window_params = [{transform_indices = @transform_0, window_bounds = array<i64: 64, 8192>}, {transform_indices = @transform_1, window_bounds = array<i64: 64, 8192>}, {transform_indices = @transform_2, window_bounds = array<i64: 64, 8192>}, {transform_indices = @transform_3, window_bounds = array<i64: 64, 8192>}, {transform_indices = @transform_4, window_bounds = array<i64: 8192, 128>}, {transform_indices = @transform_5, window_bounds = array<i64: 8192, 128>}]} {
    %get3A = arith.constant 0 : index
    %get3A_0 = arith.constant 0 : index
    %get3A_1 = vector.load %arg1[%get3A, %get3A_0] : memref<64x8192xf32, #tpu.memory_space<vmem>>, vector<64x8192xf32>
    %get3A_2 = arith.constant 0 : index
    %get3A_3 = arith.constant 0 : index
    %get3A_4 = vector.load %arg2[%get3A_2, %get3A_3] : memref<64x8192xf32, #tpu.memory_space<vmem>>, vector<64x8192xf32>
    %concatenate3A = tpu.concatenate %get3A_1, %get3A_4 in 0 : vector<64x8192xf32>, vector<64x8192xf32> -> vector<128x8192xf32>
    %transpose3A = tpu.transpose %concatenate3A, [1, 0] : vector<128x8192xf32> -> vector<8192x128xf32>
    %swap3A = arith.constant 0 : index
    %swap3A_5 = arith.constant 0 : index
    %swap3A_6 = vector.load %arg5[%swap3A, %swap3A_5] : memref<8192x128xf32, #tpu.memory_space<vmem>>, vector<8192x128xf32>
    tpu.vector_store %arg5[%swap3A, %swap3A_5], %transpose3A {strides = array<i32>} : memref<8192x128xf32, #tpu.memory_space<vmem>>, vector<8192x128xf32>,
    %get3A_7 = arith.constant 0 : index
    %get3A_8 = arith.constant 0 : index
    %get3A_9 = vector.load %arg3[%get3A_7, %get3A_8] : memref<64x8192xf32, #tpu.memory_space<vmem>>, vector<64x8192xf32>
    %get3A_10 = arith.constant 0 : index
    %get3A_11 = arith.constant 0 : index
    %get3A_12 = vector.load %arg4[%get3A_10, %get3A_11] : memref<64x8192xf32, #tpu.memory_space<vmem>>, vector<64x8192xf32>
    %concatenate3A_13 = tpu.concatenate %get3A_9, %get3A_12 in 0 : vector<64x8192xf32>, vector<64x8192xf32> -> vector<128x8192xf32>
    %transpose3A_14 = tpu.transpose %concatenate3A_13, [1, 0] : vector<128x8192xf32> -> vector<8192x128xf32>
    %swap3A_15 = arith.constant 0 : index
    %swap3A_16 = arith.constant 0 : index
    %swap3A_17 = vector.load %arg6[%swap3A_15, %swap3A_16] : memref<8192x128xf32, #tpu.memory_space<vmem>>, vector<8192x128xf32>
    tpu.vector_store %arg6[%swap3A_15, %swap3A_16], %transpose3A_14 {strides = array<i32>} : memref<8192x128xf32, #tpu.memory_space<vmem>>, vector<8192x128xf32>,
    return
  }
  func.func @transform_0(%arg0: i32) -> (i32, i32) {
    %c0_i32 = arith.constant 0 : i32
    %c0_i32_0 = arith.constant 0 : i32
    return %c0_i32, %arg0 : i32, i32
  }
  func.func @transform_1(%arg0: i32) -> (i32, i32) {
    %add3A = arith.constant 7 : i32
    %add3A_0 = arith.addi %arg0, %add3A : i32
    %min3A = arith.constant 12 : i32
    %min3A_1 = arith.minsi %add3A_0, %min3A : i32
    %c0_i32 = arith.constant 0 : i32
    %c0_i32_2 = arith.constant 0 : i32
    return %c0_i32, %min3A_1 : i32, i32
  }
  func.func @transform_2(%arg0: i32) -> (i32, i32) {
    %c0_i32 = arith.constant 0 : i32
    %c0_i32_0 = arith.constant 0 : i32
    return %c0_i32, %arg0 : i32, i32
  }
  func.func @transform_3(%arg0: i32) -> (i32, i32) {
    %add3A = arith.constant 7 : i32
    %add3A_0 = arith.addi %arg0, %add3A : i32
    %min3A = arith.constant 12 : i32
    %min3A_1 = arith.minsi %add3A_0, %min3A : i32
    %c0_i32 = arith.constant 0 : i32
    %c0_i32_2 = arith.constant 0 : i32
    return %c0_i32, %min3A_1 : i32, i32
  }
  func.func @transform_4(%arg0: i32) -> (i32, i32) {
    %c0_i32 = arith.constant 0 : i32
    %c0_i32_0 = arith.constant 0 : i32
    return %arg0, %c0_i32 : i32, i32
  }
  func.func @transform_5(%arg0: i32) -> (i32, i32) {
    %c0_i32 = arith.constant 0 : i32
    %c0_i32_0 = arith.constant 0 : i32
    return %arg0, %c0_i32 : i32, i32
  }
}

module attributes {stable_mosaic.version = 14 : i64} {
  func.func @body(%arg0: i32, %arg1: memref<4096x128xf32, #tpu.memory_space<vmem>>, %arg2: memref<4096x128xf32, #tpu.memory_space<vmem>>, %arg3: memref<4096x128xf32, #tpu.memory_space<vmem>>, %arg4: memref<4096x3xi32, #tpu.memory_space<vmem>>, %arg5: memref<4096xf32, #tpu.memory_space<vmem>>) attributes {dimension_semantics = [#tpu.dimension_semantics<arbitrary>], iteration_bounds = array<i64: 4>, scalar_prefetch = 0 : i64, scratch_operands = 0 : i64, tpu.core_type = #tpu.core_type<tc>, window_params = [{transform_indices = @transform_0, window_bounds = array<i64: 4096, 128>}, {transform_indices = @transform_1, window_bounds = array<i64: 4096, 128>}, {transform_indices = @transform_2, window_bounds = array<i64: 4096, 128>}, {transform_indices = @transform_3, window_bounds = array<i64: 4096, 3>}, {transform_indices = @transform_4, window_bounds = array<i64: 4096>}]} {
    %get3A = arith.constant 0 : index
    %get3A_0 = arith.constant 0 : index
    %get3A_1 = vector.load %arg4[%get3A, %get3A_0] : memref<4096x3xi32, #tpu.memory_space<vmem>>, vector<4096x3xi32>
    %get3A_2 = arith.constant 0 : index
    %get3A_3 = arith.constant 0 : index
    %get3A_4 = vector.load %arg1[%get3A_2, %get3A_3] : memref<4096x128xf32, #tpu.memory_space<vmem>>, vector<4096x128xf32>
    %slice3A = vector.extract_strided_slice %get3A_1 {offsets = [0, 0], sizes = [4096, 1], strides = [1, 1]} : vector<4096x3xi32> to vector<4096x1xi32>
    %ge3A = arith.constant 507904 : i32
    %ge3A_5 = vector.broadcast %ge3A : i32 to vector<4096x1xi32>
    %ge3A_6 = arith.cmpi sge, %slice3A, %ge3A_5 : vector<4096x1xi32>
    %slice3A_7 = vector.extract_strided_slice %get3A_4 {offsets = [0, 64], sizes = [4096, 64], strides = [1, 1]} : vector<4096x128xf32> to vector<4096x64xf32>
    %slice3A_8 = vector.extract_strided_slice %get3A_4 {offsets = [0, 0], sizes = [4096, 64], strides = [1, 1]} : vector<4096x128xf32> to vector<4096x64xf32>
    %broadcast_in_dim3A = vector.shape_cast %ge3A_6 : vector<4096x1xi1> to vector<4096x1xi1>
    %broadcast_in_dim3A_9 = vector.broadcast %broadcast_in_dim3A : vector<4096x1xi1> to vector<4096x64xi1>
    %select_n3A = arith.select %broadcast_in_dim3A_9, %slice3A_7, %slice3A_8 : vector<4096x64xi1>, vector<4096x64xf32>
    %get3A_10 = arith.constant 0 : index
    %get3A_11 = arith.constant 0 : index
    %get3A_12 = vector.load %arg2[%get3A_10, %get3A_11] : memref<4096x128xf32, #tpu.memory_space<vmem>>, vector<4096x128xf32>
    %slice3A_13 = vector.extract_strided_slice %get3A_1 {offsets = [0, 1], sizes = [4096, 1], strides = [1, 1]} : vector<4096x3xi32> to vector<4096x1xi32>
    %ge3A_14 = arith.constant 57344 : i32
    %ge3A_15 = vector.broadcast %ge3A_14 : i32 to vector<4096x1xi32>
    %ge3A_16 = arith.cmpi sge, %slice3A_13, %ge3A_15 : vector<4096x1xi32>
    %slice3A_17 = vector.extract_strided_slice %get3A_12 {offsets = [0, 64], sizes = [4096, 64], strides = [1, 1]} : vector<4096x128xf32> to vector<4096x64xf32>
    %slice3A_18 = vector.extract_strided_slice %get3A_12 {offsets = [0, 0], sizes = [4096, 64], strides = [1, 1]} : vector<4096x128xf32> to vector<4096x64xf32>
    %broadcast_in_dim3A_19 = vector.shape_cast %ge3A_16 : vector<4096x1xi1> to vector<4096x1xi1>
    %broadcast_in_dim3A_20 = vector.broadcast %broadcast_in_dim3A_19 : vector<4096x1xi1> to vector<4096x64xi1>
    %select_n3A_21 = arith.select %broadcast_in_dim3A_20, %slice3A_17, %slice3A_18 : vector<4096x64xi1>, vector<4096x64xf32>
    %get3A_22 = arith.constant 0 : index
    %get3A_23 = arith.constant 0 : index
    %get3A_24 = vector.load %arg3[%get3A_22, %get3A_23] : memref<4096x128xf32, #tpu.memory_space<vmem>>, vector<4096x128xf32>
    %slice3A_25 = vector.extract_strided_slice %get3A_1 {offsets = [0, 2], sizes = [4096, 1], strides = [1, 1]} : vector<4096x3xi32> to vector<4096x1xi32>
    %ge3A_26 = arith.constant 57344 : i32
    %ge3A_27 = vector.broadcast %ge3A_26 : i32 to vector<4096x1xi32>
    %ge3A_28 = arith.cmpi sge, %slice3A_25, %ge3A_27 : vector<4096x1xi32>
    %slice3A_29 = vector.extract_strided_slice %get3A_24 {offsets = [0, 64], sizes = [4096, 64], strides = [1, 1]} : vector<4096x128xf32> to vector<4096x64xf32>
    %slice3A_30 = vector.extract_strided_slice %get3A_24 {offsets = [0, 0], sizes = [4096, 64], strides = [1, 1]} : vector<4096x128xf32> to vector<4096x64xf32>
    %broadcast_in_dim3A_31 = vector.shape_cast %ge3A_28 : vector<4096x1xi1> to vector<4096x1xi1>
    %broadcast_in_dim3A_32 = vector.broadcast %broadcast_in_dim3A_31 : vector<4096x1xi1> to vector<4096x64xi1>
    %select_n3A_33 = arith.select %broadcast_in_dim3A_32, %slice3A_29, %slice3A_30 : vector<4096x64xi1>, vector<4096x64xf32>
    %add3A = arith.addf %select_n3A_21, %select_n3A_33 : vector<4096x64xf32>
    %mul3A = arith.mulf %select_n3A, %add3A : vector<4096x64xf32>
    %reduce_sum3A = arith.constant dense<0.000000e+00> : vector<4096xf32>
    %reduce_sum3A_34 = vector.multi_reduction <add>, %mul3A, %reduce_sum3A [1] : vector<4096x64xf32> to vector<4096xf32>
    %swap3A = arith.constant 0 : index
    %swap3A_35 = vector.load %arg5[%swap3A] : memref<4096xf32, #tpu.memory_space<vmem>>, vector<4096xf32>
    tpu.vector_store %arg5[%swap3A], %reduce_sum3A_34 {strides = array<i32>} : memref<4096xf32, #tpu.memory_space<vmem>>, vector<4096xf32>,
    return
  }
  func.func @transform_0(%arg0: i32) -> (i32, i32) {
    %c0_i32 = arith.constant 0 : i32
    %c0_i32_0 = arith.constant 0 : i32
    return %arg0, %c0_i32 : i32, i32
  }
  func.func @transform_1(%arg0: i32) -> (i32, i32) {
    %c0_i32 = arith.constant 0 : i32
    %c0_i32_0 = arith.constant 0 : i32
    return %arg0, %c0_i32 : i32, i32
  }
  func.func @transform_2(%arg0: i32) -> (i32, i32) {
    %c0_i32 = arith.constant 0 : i32
    %c0_i32_0 = arith.constant 0 : i32
    return %arg0, %c0_i32 : i32, i32
  }
  func.func @transform_3(%arg0: i32) -> (i32, i32) {
    %c0_i32 = arith.constant 0 : i32
    %c0_i32_0 = arith.constant 0 : i32
    return %arg0, %c0_i32 : i32, i32
  }
  func.func @transform_4(%arg0: i32) -> i32 {
    %c0_i32 = arith.constant 0 : i32
    return %arg0 : i32
  }
}

</mosaic_0001>

<sc_bundles>
// kernel: kernel.11.cloned.1.call-start
scs
__scs_entry_jumppad:
0x0: {  	(pc) =	sbr.rel $0x88, $3  }
0x1: {  	(tag) =	ssettag $0x0;
	lr =	simm.s32 $0x1  }
0x2: {  	[smem:$0x3F9B] =	sst lr;
	_ =	strace $0xD0000000  }
0x3: {  	_ = 	snop  }
0x4: {  	_ = 	snop  }
0x5: {  	_ = 	snop  }
0x6: {  	_ = 	snop  }
0x7: {  	_ = 	snop  }
__scs_overlays_trampoline_lowered:
0x8: {  	[smem:$0x3FAA] =	sst s0  }
0x9: {  	[smem:$0x3FAB] =	sst s1  }
0xa: {  	[smem:$0x3FAC] =	sst s2  }
0xb: {  	[smem:$0x3FAD] =	sst s3  }
0xc: {  	[smem:$0x3FAE] =	sst s4  }
0xd: {  	[smem:$0x3FAF] =	sst s5  }
0xe: {  	[smem:$0x3FB0] =	sst s6  }
0xf: {  	[smem:$0x3FB1] =	sst s7  }
0x10: {  	[smem:$0x3FB2] =	sst s8  }
0x11: {  	[smem:$0x3FB3] =	sst s9;
	s0 =	simm.s32 @!p0 $0x0  }
0x12: {  	s1 =	sld [smem:$0x3F99];
	s0 =	simm.s32 @p0 $0x1  }
0x13: {  	[smem:$0x3FB4] =	sst s0;
	s0 =	simm.s32 @!p1 $0x0  }
0x14: {  	s2 =	sld [smem:$0x3F98];
	s0 =	simm.s32 @p1 $0x1  }
0x15: {  	[smem:$0x3FB5] =	sst s0;
	s0 =	simm.s32 @!p2 $0x0  }
0x16: {  	s3 =	sld [smem:$0x3FDB];
	s0 =	simm.s32 @p2 $0x1  }
0x17: {  	s4 =	simm.s32 $0x1BF5;
	[smem:$0x3FB7] =	sst s0  }
0x18: {  	s0 =	sld [smem:$0x3F9A];
	_ =	swait.ge [sflag:s4], $0x0  }
0x19: {  	s7 =	sld [smem:$0x3F9B]  }
0x1a: {  	s8 =	sadd.s32 $0xFFFFE003, lr  }
0x1b: {  	s9 =	sadd.s32 $0xFFFFFEF7, lr;
	s5 =	simm.s32 $0xFFFFFFFF;
	p2 =	slt.u32 s8, $0xFFFFF086  }
0x1c: {  	p1 =	slt.u32 s9, $0xF7A;
	s5 =	simm.s32 @!p2 $0x0  }
0x1d: {  	s5 =	simm.s32 @p1 $0x1;
	p0 =	seq.s32 s7, s2  }
0x1e: {  	s7 =	smul.u32 @!p0 $0xF7A, s2;
	p2 =	seq.s32 @!p0 s5, $0x0  }
0x1f: {  	s9 =	smul.u32 $0xF7A, s1;
	s8 =	simm.s32 @!p0 $0x1BF5;
	p2 =	por !p2, p0  }
0x20: {  	[sflag:s8] =	ssyncset.s32 @!p0 $0xFFFFF086;
	s6 =	sadd.s32 @!p0 s3, s7;
	s7 =	simm.s32 @!p0 $0x108  }
0x21: {  	s3 =	sadd.s32 s3, s9;
	s6 =	sadd.s32 @!p0 $0x88, s6;
	s7 =	simm.s32 @p2 $0x1082  }
0x22: {  	[simem:s7], [sflag:s8] =	dma.local @!p0 [hbm:s6], $0xF7A  }
0x23: {  	s9 =	sor.u32 $0xD0000000, s2;
	s6 =	simm.s32 $0x108;
	_ =	swait.ge @!p0 [sflag:s8], $0x0  }
0x24: {  	s3 =	sadd.s32 $0x88, s3;
	s6 =	simm.s32 @!p1 $0x1082;
	[sflag:s4] =	ssyncset.s32 $0xFFFFF086  }
0x25: {  	[simem:s6], [sflag:s4] =	dma.local [hbm:s3], $0xF7A  }
0x26: {  	[smem:$0x3F9B] =	sst s1;
	(tag) =	ssettag s2;
	_ =	strace s9  }
0x27: {  	s1 =	sld [smem:$0x3FAB]  }
0x28: {  	s2 =	sld [smem:$0x3FAC]  }
0x29: {  	s4 =	sld [smem:$0x3FAE]  }
0x2a: {  	p0 =	seq.s32 s5, $0x0;
	s5 =	sld [smem:$0x3FAF]  }
0x2b: {  	s6 =	sld [smem:$0x3FB0]  }
0x2c: {  	s7 =	sld [smem:$0x3FB1]  }
0x2d: {  	s3 =	simm.s32 $0x108;
	s8 =	sld [smem:$0x3FB2]  }
0x2e: {  	s3 =	simm.s32 @!p0 $0x1082;
	s9 =	sld [smem:$0x3FB3]  }
0x2f: {  	lr =	sadd.s32 s0, s3;
	s0 =	sld [smem:$0x3FAA]  }
0x30: {  	s3 =	sld [smem:$0x3FAD]  }
0x31: {  	[smem:$0x3FB6] =	sst s10  }
0x32: {  	s10 =	sld [smem:$0x3FB4];
	_ =	sdelay $0x3  }
0x33: {  	p0 =	seq.s32 s10, $0x1;
	s10 =	sld [smem:$0x3FB6];
	_ =	sdelay $0x3  }
0x34: {  	[smem:$0x3FB6] =	sst s10  }
0x35: {  	s10 =	sld [smem:$0x3FB5];
	_ =	sdelay $0x3  }
0x36: {  	p1 =	seq.s32 s10, $0x1;
	s10 =	sld [smem:$0x3FB6];
	_ =	sdelay $0x3  }
0x37: {  	[smem:$0x3FB6] =	sst s10  }
0x38: {  	s10 =	sld [smem:$0x3FB7]  }
0x39: {  	_ = 	snop;
	(pc) =	sbr.ind lr, $3  }
0x3a: {  	_ = 	snop  }
0x3b: {  	_ = 	snop  }
0x3c: {  	p2 =	seq.s32 s10, $0x1;
	s10 =	sld [smem:$0x3FB6]  }
0x3d: {  	_ =	shalt  }
0x3e: {  	_ =	shalt  }
0x3f: {  	_ =	shalt  }
0x40: {  	_ =	shalt  }
0x41: {  	_ =	shalt  }
0x42: {  	_ =	shalt  }
0x43: {  	_ =	shalt  }
0x44: {  	_ =	shalt  }
0x45: {  	_ =	shalt  }
0x46: {  	_ =	shalt  }
0x47: {  	_ =	shalt  }
0x48: {  	_ =	shalt  }
0x49: {  	_ =	shalt  }
0x4a: {  	_ =	shalt  }
0x4b: {  	_ =	shalt  }
0x4c: {  	_ =	shalt  }
0x4d: {  	_ =	shalt  }
0x4e: {  	_ =	shalt  }
0x4f: {  	_ =	shalt  }
0x50: {  	_ =	shalt  }
0x51: {  	_ =	shalt  }
0x52: {  	_ =	shalt  }
0x53: {  	_ =	shalt  }
0x54: {  	_ =	shalt  }
0x55: {  	_ =	shalt  }
0x56: {  	_ =	shalt  }
0x57: {  	_ =	shalt  }
0x58: {  	_ =	shalt  }
0x59: {  	_ =	shalt  }
0x5a: {  	_ =	shalt  }
0x5b: {  	_ =	shalt  }
0x5c: {  	_ =	shalt  }
0x5d: {  	_ =	shalt  }
0x5e: {  	_ =	shalt  }
0x5f: {  	_ =	shalt  }
0x60: {  	_ =	shalt  }
0x61: {  	_ =	shalt  }
0x62: {  	_ =	shalt  }
0x63: {  	_ =	shalt  }
0x64: {  	_ =	shalt  }
0x65: {  	_ =	shalt  }
0x66: {  	_ =	shalt  }
0x67: {  	_ =	shalt  }
0x68: {  	_ =	shalt  }
0x69: {  	_ =	shalt  }
0x6a: {  	_ =	shalt  }
0x6b: {  	_ =	shalt  }
0x6c: {  	_ =	shalt  }
0x6d: {  	_ =	shalt  }
0x6e: {  	_ =	shalt  }
0x6f: {  	_ =	shalt  }
0x70: {  	_ =	shalt  }
0x71: {  	_ =	shalt  }
0x72: {  	_ =	shalt  }
0x73: {  	_ =	shalt  }
0x74: {  	_ =	shalt  }
0x75: {  	_ =	shalt  }
0x76: {  	_ =	shalt  }
0x77: {  	_ =	shalt  }
0x78: {  	_ =	shalt  }
0x79: {  	_ =	shalt  }
0x7a: {  	_ =	shalt  }
0x7b: {  	_ =	shalt  }
0x7c: {  	_ =	shalt  }
0x7d: {  	_ =	shalt  }
0x7e: {  	_ =	shalt  }
0x7f: {  	_ =	shalt  }
0x80: {  	_ =	shalt  }
0x81: {  	_ =	shalt  }
0x82: {  	_ =	shalt  }
0x83: {  	_ =	shalt  }
0x84: {  	_ =	shalt  }
0x85: {  	_ =	shalt  }
0x86: {  	_ =	shalt  }
0x87: {  	_ =	shalt  }
.Lfunc_end0:
.L_simem_size_0:
called_computation.1_lowered:
.L_overlay_start_0:
0x88: {  	s2 =	sld [smem:$0x3FD9]  }
0x89: {  	s3 =	sld [smem:$0x3FFE];
	_ =	sdelay $0x1  }
0x8a: {  	s1 =	srdreg.scid  }
0x8b: {  	s0 =	sand.u32 $0x1, s1  }
0x8c: {  	s17 =	sshll.u32 s0, $0xA;
	s2 =	sadd.s32 s3, s2  }
0x8d: {  	s2 =	sadd.s32 s2, s17  }
0x8e: {  	[smem:$0x3FC2] =	sst s2  }
0x8f: {  	_ = 	snop  }
0x90: {  	s18 =	sld [smem:$0x3FC8]  }
0x91: {  	s4 =	sld [smem:$0x3FD0];
	(tm) =	ssettm $0x1  }
0x92: {  	s19 =	sld [smem:$0x3FFB];
	_ =	sdelay $0x3  }
0x93: {  	_ =	strace s19  }
0x94: {  	s2 =	sld [smem:$0x3FFC];
	_ =	sdelay $0x3  }
0x95: {  	_ =	strace s2  }
0x96: {  	s2 =	sld [smem:$0x3FFD];
	_ =	sdelay $0x3  }
0x97: {  	_ =	strace s2  }
0x98: {  	_ =	strace $0x8FFFFFFF  }
0x99: {  	s20 =	sld [smem:$0x3FDB];
	_ =	sdelay $0x1  }
0x9a: {  	s5 =	simm.s32 $_scs_section_size  }
0x9b: {  	s6 =	simm.s32 $_size__tile_overlayer_lowered;
	s7 =	simm.s32 $_tile_overlayer_lowered  }
0x9c: {  	s8 =	simm.s32 $0x1BFF;
	s21 =	sshll.u32 s7, $0x1;
	s5 =	sadd.s32 s5, s20  }
0x9d: {  	s22 =	simm.s32 $0x0;
	s6 =	sshll.u32 s6, $0x1;
	s7 =	sadd.s32 s21, s5  }
0x9e: {  	[timem:s22], [sflag:s8] =	dma.local [hbm:s7], s6  }
0x9f: {  	_ =	swait.ge [sflag:s8], s6  }
0xa0: {  	s6 =	ssub.s32 $0x0, s6;
	[sflag:s8] =	ssyncset.done $0x0  }
0xa1: {  	[sflag:s8] =	ssyncadd.s32 s6;
	_ =	sdelay $0x1  }
0xa2: {  	s23 =	simm.s32 $0x1B8B  }
0xa3: {  	_ =	swait.ge [sflag:s23], $0x1  }
0xa4: {  	[sflag:s23] =	ssyncset.done $0x0  }
0xa5: {  	[sflag:s23] =	ssyncadd.s32 $0xFFFFFFFF  }
0xa6: {  	s6 =	sld [smem:$0x0]  }
0xa7: {  	s7 =	sand.u32 $0xFFFFFFFE, s1  }
0xa8: {  	p0 =	sne.s32 s1, s7  }
0xa9: {  	s7 =	sshll.u32 @p0 s7, $0xE  }
0xaa: {  	s7 =	sadd.s32 @p0 $0x11B8D, s7;
	s8 =	sshll.u32 @p0 s6, $0x11  }
0xab: {  	s7 =	sor.u32 @p0 s8, s7  }
0xac: {  	[sflag:s7] =	ssyncadd.remote.s32 @p0 $0x1;
	_ =	sdelay $0x1  }
0xad: {  	s7 =	simm.s32 @p0 $0x1B8D  }
0xae: {  	_ =	swait.eq @p0 [sflag:s7], $0x1  }
0xaf: {  	[sflag:s7] =	ssyncadd.s32 @p0 $0xFFFFFFFF  }
0xb0: {  	s8 =	sshll.u32 @!p0 s1, $0xE  }
0xb1: {  	s8 =	sor.u32 @!p0 $0x4000, s8;
	s7 =	simm.s32 @!p0 $0x1B8D  }
0xb2: {  	s6 =	sshll.u32 @!p0 s6, $0x11;
	s8 =	sadd.s32 @!p0 $0x11B8D, s8;
	_ =	swait.eq @!p0 [sflag:s7], $0x1  }
0xb3: {  	s6 =	sor.u32 @!p0 s6, s8;
	[sflag:s7] =	ssyncadd.s32 @!p0 $0xFFFFFFFF  }
0xb4: {  	s25 =	simm.s32 $0x1B8E;
	s24 =	sld [smem:$0x3FFE];
	[sflag:s6] =	ssyncadd.remote.s32 @!p0 $0x1  }
0xb5: {  	s26 =	simm.s32 $execute0_lowered;
	[smem:$0x3FD2] =	sst s25  }
0xb6: {  	s7 =	sshll.u32 s26, $0x1;
	_ =	strace $0x8000004C;
	[dreg:$0x1] =	wrdreg $0xFFFFFFFF  }
0xb7: {  	s28 =	simm.s32 $_size_execute0_lowered;
	s5 =	sadd.s32 s5, s7;
	[dreg:$0x0] =	wrdreg $0x0  }
0xb8: {  	s7 =	sshll.u32 s28, $0x1;
	[dreg:$0x2] =	wrdreg s5  }
0xb9: {  	[dreg:$0x3] =	wrdreg s7  }
0xba: {  	[dreg:$0x4] =	wrdreg $0xC0  }
0xbb: {  	_ =	task [dreg:s22], $0x5FFFF  }
0xbc: {  	[dreg:$0x1] =	wrdreg $0xFFFFFFFF  }
0xbd: {  	[dreg:$0x0] =	wrdreg $0x60  }
0xbe: {  	[dreg:$0x2] =	wrdreg s18  }
0xbf: {  	[dreg:$0x3] =	wrdreg s4  }
0xc0: {  	[dreg:$0x4] =	wrdreg s24  }
0xc1: {  	[dreg:$0x5] =	wrdreg $0xA  }
0xc2: {  	_ =	task.clear_ibuf [dreg:s22], $0x6FFFF;
	_ =	strace $0x9000004C  }
0xc3: {  	s29 =	simm.s32 $0xA;
	_ =	strace $0x8000004E  }
0xc4: {  	_ =	swait.ge [sflag:s29], $0x1  }
0xc5: {  	[sflag:s29] =	ssyncadd.s32 $0xFFFFFFFF  }
0xc6: {  	_ =	strace $0x9000004E  }
0xc7: {  	_ =	sfence  }
0xc8: {  	s30 =	sld [smem:$0x0];
	_ =	sdelay $0x2  }
0xc9: {  	s31 =	sshll.u32 s1, $0xD;
	s1 =	sshrl.u32 s1, $0x2  }
0xca: {  	s4 =	sand.u32 $0x4000, s31;
	s1 =	sadd.s32 s1, s30  }
0xcb: {  	s0 =	sor.u32 s4, s0;
	s1 =	sshll.u32 s1, $0x11  }
0xcc: {  	s0 =	sor.u32 s1, s0  }
0xcd: {  	s0 =	sadd.s32 $0x8F2B, s0  }
0xce: {  	[sflag:s0] =	ssyncadd.remote.s32 $0x1  }
0xcf: {  	_ =	sfence.sel $0xFFFF  }
0xd0: {  	[dreg:$0x0] =	wrdreg $0xFFFFFFFF;
	(pc) =	sbr.abs _section_cstart, $3  }
0xd1: {  	[dreg:$0x1] =	wrdreg $0xFFFFFFFF  }
0xd2: {  	_ =	task.clear_ibuf [dreg:s22], $0x2FFFF;
	_ =	strace $0x9FFFFFFF  }
0xd3: {  	(tm) =	ssettm $0x7FFFFFFF  }
tec
execute0_lowered:
.L_overlay_start_1:
0x0: {  	(tag) =	ssettag $0x1  }
0x1: {  	s5 =	rddreg [dreg:$0x0]  }
0x2: {  	s6 =	rddreg [dreg:$0x1]  }
0x3: {  	s7 =	rddreg [dreg:$0x2]  }
0x4: {  	s0 =	rddreg [dreg:$0x3]  }
0x5: {  	s2 =	simm.s32 $0x0;
	s3 =	srdreg.scid;
	s1 =	stileid.u32  }
0x6: {  	s12 =	simm.s32 $0x400;
	s13 =	simm.s32 $0x1;
	s14 =	simm.s32 $0x0  }
0x7: {  	[smem:$0x7FF] =	sst s2;
	s8 =	sand.u32 $0x1, s3;
	s3 =	sadd.s32 $0x801C00, s7  }
0x8: {  	s9 =	sshll.u32 s1, $0xA;
	s4 =	sadd.s32 $0x8E1C00, s7;
	s10 =	sshll.u32 s8, $0x9  }
0x9: {  	_ =	strace $0x8000004D;
	s8 =	ssub.s32 $0x2, s8;
	s9 =	sor.u32 s10, s9  }
0xa: {  	s11 =	sshrl.u32 s8, $0x1;
	s10 =	sshll.u32 s9, $0x4;
	s9 =	sshrl.u32 s9, $0x3  }
0xb: {  	s11 =	ssub.s32 s8, s11;
	s10 =	sadd.s32 s10, s7;
	s5 =	sadd.s32 s5, s9  }
0xc: {  	s6 =	sadd.s32 s6, s9;
	s9 =	smax.u32 s11, $0x1;
	s11 =	simm.s32 $0x200  }
0xd: {  	v0 =	vimm.s32 $0xFFFF2000;
	s7 =	sadd.s32 $0x9C1C00, s10;
	s8 =	sadd.s32 $0xA01C00, s10;
	s10 =	simm.s32 $0x2  }
.LBB2_1:
0xe: {  	[tilespmem:s2], [sflag:$0x2] =	stream.linear.gather [hbm4b:s5+s2], $0x200, $0x38;
	[tilespmem:$0x10400] =	vst v63  }
0xf: {  	_ =	swait.ge [sflag:s10], $0x200  }
0x10: {  	[sflag:s10] =	ssyncset.done $0x0  }
0x11: {  	[sflag:s10] =	ssyncadd.s32 $0xFFFFFE00  }
0x12: {  	[tilespmem:s11], [sflag:$0x2] =	stream.linear.gather [hbm4b:s6+s2], $0x200, $0x38;
	[tilespmem:$0x10400] =	vst v63  }
0x13: {  	_ =	swait.ge [sflag:s10], $0x200  }
0x14: {  	[sflag:s10] =	ssyncset.done $0x0  }
0x15: {  	s15 =	simm.s32 $0x0;
	[sflag:s10] =	ssyncadd.s32 $0xFFFFFE00  }
0x16: {  	s16 =	simm.s32 $0x40;
	v1 =	vld [tilespmem:s15+$0x0]  }
.LBB2_2:
0x17: {  	p0 =	sne.s32 s16, $0x7C0;
	v2 =	vld [tilespmem:s15+$0x200];
	_ =	sdelay $0x3  }
.Ltmp0:
0x18: {  	vm0 =	vlt.s32 v1, $0xE000;
	(pc) =	sbr.rel @p0 .LBB2_2-.Ltmp0, $4  }
0x19: {  	v3 =	vsel vm0, $0x0, v0;
	vm0 =	vlt.s32 v2, $0xE000  }
0x1a: {  	v1 =	vadd.s32 v1, v3;
	v3 =	vsel vm0, $0x0, v0  }
0x1b: {  	s17 =	sshra.s32 s16, $0x2;
	[tilespmem:s15+$0x0] =	vst v1;
	v2 =	vadd.s32 v2, v3  }
0x1c: {  	s16 =	sadd.s32 $0x40, s16;
	v1 =	vld [tilespmem:s17+$0x0];
	[tilespmem:s15+$0x200] =	vst v2;
	s15 =	smov.u32 s17  }
0x1d: {  	v2 =	vld [tilespmem:s15+$0x200];
	_ =	sdelay $0x3  }
0x1e: {  	vm0 =	vlt.s32 v1, $0xE000  }
0x1f: {  	v3 =	vsel vm0, $0x0, v0;
	vm15 =	vlt.s32 v2, $0xE000  }
0x20: {  	v1 =	vadd.s32 v1, v3;
	v3 =	vsel vm15, $0x0, v0  }
0x21: {  	[tilespmem:s15+$0x0] =	vst v1;
	v1 =	vadd.s32 v2, v3  }
0x22: {  	[tilespmem:s15+$0x200] =	vst v1  }
0x23: {  	[tilespmem:s12], [sflag:$0x1] =	stream.indirect.gather [hbm4b:s3+s11], $0x80, s2, s11, $0xb8;
	[tilespmem:$0x10400] =	vst v63  }
0x24: {  	_ =	swait.ge [sflag:s13], $0x10000  }
0x25: {  	[sflag:s13] =	ssyncset.done $0x0  }
0x26: {  	[sflag:s13] =	ssyncadd.s32 $0xFFFF0000  }
0x27: {  	[hbm4b:s7+s2] =	stream.linear.scatter [tilespmem:s12], [sflag:$0x2], $0x10000, $0x38;
	[tilespmem:$0x10400] =	vst v63  }
0x28: {  	_ =	swait.ge [sflag:s10], $0x10000  }
0x29: {  	[sflag:s10] =	ssyncset.done $0x0  }
0x2a: {  	[sflag:s10] =	ssyncadd.s32 $0xFFFF0000  }
0x2b: {  	[tilespmem:s12], [sflag:$0x1] =	stream.indirect.gather [hbm4b:s4+s11], $0x80, s11, s11, $0xb8;
	[tilespmem:$0x10400] =	vst v63  }
0x2c: {  	s14 =	sadd.s32 $0x1, s14;
	_ =	swait.ge [sflag:s13], $0x10000  }
0x2d: {  	p0 =	sne.s32 s14, s9;
	[sflag:s13] =	ssyncset.done $0x0  }
.Ltmp1:
0x2e: {  	[sflag:s13] =	ssyncadd.s32 $0xFFFF0000;
	(pc) =	sbr.rel @p0 .LBB2_1-.Ltmp1, $4  }
0x2f: {  	[hbm4b:s8+s2] =	stream.linear.scatter [tilespmem:s12], [sflag:$0x2], $0x10000, $0x38;
	[tilespmem:$0x10400] =	vst v63  }
0x30: {  	_ =	swait.ge [sflag:s10], $0x10000  }
0x31: {  	[sflag:s10] =	ssyncset.done $0x0  }
0x32: {  	[sflag:s10] =	ssyncadd.s32 $0xFFFF0000  }
0x33: {  	_ =	sfence.sel $0x180000  }
0x34: {  	[bflag:$0x0] =	sbarrier.arrive $0xFFFF  }
0x35: {  	p0 =	sne.s32 s1, $0x0;
	_ =	strace $0x9000004D  }
0x36: {  	s0 =	sadd.s32 @!p0 $0x100000, s0;
	[bflag:$0x2] =	sbarrier.arrive $0xFFFF  }
0x37: {  	[sflag:s0] =	ssyncadd.tile.s32 @!p0 $0x1;
	_ =	shalt  }
.Lfunc_end2:
_tile_overlayer_lowered:
.L_overlay_start_2:
0x38: {  	(tag) =	ssettag $0x2  }
0x39: {  	s0 =	rddreg [dreg:$0x0];
	s2 =	stileid.u32  }
0x3a: {  	s1 =	rddreg [dreg:$0x1];
	p0 =	sne.s32 s2, $0x0  }
0x3b: {  	s3 =	rddreg [dreg:$0x2];
	[bflag:$0x3] =	sbarrier.arrive $0xFFFF;
	s2 =	simm.s32 @!p0 $0x1C02  }
0x3c: {  	[timem:s3], [sflag:s2] =	dma.local @!p0 [hbm:s0], s1  }
0x3d: {  	s0 =	simm.s32 @!p0 $0x2  }
0x3e: {  	_ =	swait.ge @!p0 [sflag:s0], s1  }
0x3f: {  	s1 =	ssub.s32 @!p0 $0x0, s1;
	[sflag:s0] =	ssyncset.done @!p0 $0x0  }
0x40: {  	[sflag:s0] =	ssyncadd.s32 @!p0 s1  }
0x41: {  	[bflag:$0x3] =	sbarrier.arrive $0xFFFF  }
0x42: {  	_ =	shalt  }

// kernel: kernel.14.cloned.1.call-start
scs
__scs_entry_jumppad:
0x0: {  	(pc) =	sbr.rel $0x88, $3  }
0x1: {  	(tag) =	ssettag $0x0;
	lr =	simm.s32 $0x1  }
0x2: {  	[smem:$0x3F9B] =	sst lr;
	_ =	strace $0xD0000000  }
0x3: {  	_ = 	snop  }
0x4: {  	_ = 	snop  }
0x5: {  	_ = 	snop  }
0x6: {  	_ = 	snop  }
0x7: {  	_ = 	snop  }
__scs_overlays_trampoline_lowered:
0x8: {  	[smem:$0x3FAA] =	sst s0  }
0x9: {  	[smem:$0x3FAB] =	sst s1  }
0xa: {  	[smem:$0x3FAC] =	sst s2  }
0xb: {  	[smem:$0x3FAD] =	sst s3  }
0xc: {  	[smem:$0x3FAE] =	sst s4  }
0xd: {  	[smem:$0x3FAF] =	sst s5  }
0xe: {  	[smem:$0x3FB0] =	sst s6  }
0xf: {  	[smem:$0x3FB1] =	sst s7  }
0x10: {  	[smem:$0x3FB2] =	sst s8  }
0x11: {  	[smem:$0x3FB3] =	sst s9;
	s0 =	simm.s32 @!p0 $0x0  }
0x12: {  	s1 =	sld [smem:$0x3F99];
	s0 =	simm.s32 @p0 $0x1  }
0x13: {  	[smem:$0x3FB4] =	sst s0;
	s0 =	simm.s32 @!p1 $0x0  }
0x14: {  	s2 =	sld [smem:$0x3F98];
	s0 =	simm.s32 @p1 $0x1  }
0x15: {  	[smem:$0x3FB5] =	sst s0;
	s0 =	simm.s32 @!p2 $0x0  }
0x16: {  	s3 =	sld [smem:$0x3FDB];
	s0 =	simm.s32 @p2 $0x1  }
0x17: {  	s4 =	simm.s32 $0x1BF5;
	[smem:$0x3FB7] =	sst s0  }
0x18: {  	s0 =	sld [smem:$0x3F9A];
	_ =	swait.ge [sflag:s4], $0x0  }
0x19: {  	s7 =	sld [smem:$0x3F9B]  }
0x1a: {  	s8 =	sadd.s32 $0xFFFFE003, lr  }
0x1b: {  	s9 =	sadd.s32 $0xFFFFFEF7, lr;
	s5 =	simm.s32 $0xFFFFFFFF;
	p2 =	slt.u32 s8, $0xFFFFF086  }
0x1c: {  	p1 =	slt.u32 s9, $0xF7A;
	s5 =	simm.s32 @!p2 $0x0  }
0x1d: {  	s5 =	simm.s32 @p1 $0x1;
	p0 =	seq.s32 s7, s2  }
0x1e: {  	s7 =	smul.u32 @!p0 $0xF7A, s2;
	p2 =	seq.s32 @!p0 s5, $0x0  }
0x1f: {  	s9 =	smul.u32 $0xF7A, s1;
	s8 =	simm.s32 @!p0 $0x1BF5;
	p2 =	por !p2, p0  }
0x20: {  	[sflag:s8] =	ssyncset.s32 @!p0 $0xFFFFF086;
	s6 =	sadd.s32 @!p0 s3, s7;
	s7 =	simm.s32 @!p0 $0x108  }
0x21: {  	s3 =	sadd.s32 s3, s9;
	s6 =	sadd.s32 @!p0 $0x88, s6;
	s7 =	simm.s32 @p2 $0x1082  }
0x22: {  	[simem:s7], [sflag:s8] =	dma.local @!p0 [hbm:s6], $0xF7A  }
0x23: {  	s9 =	sor.u32 $0xD0000000, s2;
	s6 =	simm.s32 $0x108;
	_ =	swait.ge @!p0 [sflag:s8], $0x0  }
0x24: {  	s3 =	sadd.s32 $0x88, s3;
	s6 =	simm.s32 @!p1 $0x1082;
	[sflag:s4] =	ssyncset.s32 $0xFFFFF086  }
0x25: {  	[simem:s6], [sflag:s4] =	dma.local [hbm:s3], $0xF7A  }
0x26: {  	[smem:$0x3F9B] =	sst s1;
	(tag) =	ssettag s2;
	_ =	strace s9  }
0x27: {  	s1 =	sld [smem:$0x3FAB]  }
0x28: {  	s2 =	sld [smem:$0x3FAC]  }
0x29: {  	s4 =	sld [smem:$0x3FAE]  }
0x2a: {  	p0 =	seq.s32 s5, $0x0;
	s5 =	sld [smem:$0x3FAF]  }
0x2b: {  	s6 =	sld [smem:$0x3FB0]  }
0x2c: {  	s7 =	sld [smem:$0x3FB1]  }
0x2d: {  	s3 =	simm.s32 $0x108;
	s8 =	sld [smem:$0x3FB2]  }
0x2e: {  	s3 =	simm.s32 @!p0 $0x1082;
	s9 =	sld [smem:$0x3FB3]  }
0x2f: {  	lr =	sadd.s32 s0, s3;
	s0 =	sld [smem:$0x3FAA]  }
0x30: {  	s3 =	sld [smem:$0x3FAD]  }
0x31: {  	[smem:$0x3FB6] =	sst s10  }
0x32: {  	s10 =	sld [smem:$0x3FB4];
	_ =	sdelay $0x3  }
0x33: {  	p0 =	seq.s32 s10, $0x1;
	s10 =	sld [smem:$0x3FB6];
	_ =	sdelay $0x3  }
0x34: {  	[smem:$0x3FB6] =	sst s10  }
0x35: {  	s10 =	sld [smem:$0x3FB5];
	_ =	sdelay $0x3  }
0x36: {  	p1 =	seq.s32 s10, $0x1;
	s10 =	sld [smem:$0x3FB6];
	_ =	sdelay $0x3  }
0x37: {  	[smem:$0x3FB6] =	sst s10  }
0x38: {  	s10 =	sld [smem:$0x3FB7]  }
0x39: {  	_ = 	snop;
	(pc) =	sbr.ind lr, $3  }
0x3a: {  	_ = 	snop  }
0x3b: {  	_ = 	snop  }
0x3c: {  	p2 =	seq.s32 s10, $0x1;
	s10 =	sld [smem:$0x3FB6]  }
0x3d: {  	_ =	shalt  }
0x3e: {  	_ =	shalt  }
0x3f: {  	_ =	shalt  }
0x40: {  	_ =	shalt  }
0x41: {  	_ =	shalt  }
0x42: {  	_ =	shalt  }
0x43: {  	_ =	shalt  }
0x44: {  	_ =	shalt  }
0x45: {  	_ =	shalt  }
0x46: {  	_ =	shalt  }
0x47: {  	_ =	shalt  }
0x48: {  	_ =	shalt  }
0x49: {  	_ =	shalt  }
0x4a: {  	_ =	shalt  }
0x4b: {  	_ =	shalt  }
0x4c: {  	_ =	shalt  }
0x4d: {  	_ =	shalt  }
0x4e: {  	_ =	shalt  }
0x4f: {  	_ =	shalt  }
0x50: {  	_ =	shalt  }
0x51: {  	_ =	shalt  }
0x52: {  	_ =	shalt  }
0x53: {  	_ =	shalt  }
0x54: {  	_ =	shalt  }
0x55: {  	_ =	shalt  }
0x56: {  	_ =	shalt  }
0x57: {  	_ =	shalt  }
0x58: {  	_ =	shalt  }
0x59: {  	_ =	shalt  }
0x5a: {  	_ =	shalt  }
0x5b: {  	_ =	shalt  }
0x5c: {  	_ =	shalt  }
0x5d: {  	_ =	shalt  }
0x5e: {  	_ =	shalt  }
0x5f: {  	_ =	shalt  }
0x60: {  	_ =	shalt  }
0x61: {  	_ =	shalt  }
0x62: {  	_ =	shalt  }
0x63: {  	_ =	shalt  }
0x64: {  	_ =	shalt  }
0x65: {  	_ =	shalt  }
0x66: {  	_ =	shalt  }
0x67: {  	_ =	shalt  }
0x68: {  	_ =	shalt  }
0x69: {  	_ =	shalt  }
0x6a: {  	_ =	shalt  }
0x6b: {  	_ =	shalt  }
0x6c: {  	_ =	shalt  }
0x6d: {  	_ =	shalt  }
0x6e: {  	_ =	shalt  }
0x6f: {  	_ =	shalt  }
0x70: {  	_ =	shalt  }
0x71: {  	_ =	shalt  }
0x72: {  	_ =	shalt  }
0x73: {  	_ =	shalt  }
0x74: {  	_ =	shalt  }
0x75: {  	_ =	shalt  }
0x76: {  	_ =	shalt  }
0x77: {  	_ =	shalt  }
0x78: {  	_ =	shalt  }
0x79: {  	_ =	shalt  }
0x7a: {  	_ =	shalt  }
0x7b: {  	_ =	shalt  }
0x7c: {  	_ =	shalt  }
0x7d: {  	_ =	shalt  }
0x7e: {  	_ =	shalt  }
0x7f: {  	_ =	shalt  }
0x80: {  	_ =	shalt  }
0x81: {  	_ =	shalt  }
0x82: {  	_ =	shalt  }
0x83: {  	_ =	shalt  }
0x84: {  	_ =	shalt  }
0x85: {  	_ =	shalt  }
0x86: {  	_ =	shalt  }
0x87: {  	_ =	shalt  }
.Lfunc_end0:
.L_simem_size_0:
called_computation.2_lowered:
.L_overlay_start_0:
0x88: {  	s2 =	sld [smem:$0x3FD9]  }
0x89: {  	s3 =	sld [smem:$0x3FFE];
	_ =	sdelay $0x1  }
0x8a: {  	s1 =	srdreg.scid  }
0x8b: {  	s0 =	sand.u32 $0x1, s1  }
0x8c: {  	s17 =	sshll.u32 s0, $0xA;
	s2 =	sadd.s32 s3, s2  }
0x8d: {  	s2 =	sadd.s32 s2, s17  }
0x8e: {  	[smem:$0x3FC2] =	sst s2  }
0x8f: {  	_ = 	snop  }
0x90: {  	s18 =	sld [smem:$0x3FC9];
	(tm) =	ssettm $0x1  }
0x91: {  	s19 =	sld [smem:$0x3FFB];
	_ =	sdelay $0x3  }
0x92: {  	_ =	strace s19  }
0x93: {  	s2 =	sld [smem:$0x3FFC];
	_ =	sdelay $0x3  }
0x94: {  	_ =	strace s2  }
0x95: {  	s2 =	sld [smem:$0x3FFD];
	_ =	sdelay $0x3  }
0x96: {  	_ =	strace s2  }
0x97: {  	_ =	strace $0x8FFFFFFF  }
0x98: {  	s20 =	sld [smem:$0x3FDB];
	_ =	sdelay $0x1  }
0x99: {  	s4 =	simm.s32 $_scs_section_size  }
0x9a: {  	s5 =	simm.s32 $_size__tile_overlayer_lowered;
	s6 =	simm.s32 $_tile_overlayer_lowered  }
0x9b: {  	s7 =	simm.s32 $0x1BFF;
	s21 =	sshll.u32 s6, $0x1;
	s4 =	sadd.s32 s4, s20  }
0x9c: {  	s22 =	simm.s32 $0x0;
	s5 =	sshll.u32 s5, $0x1;
	s6 =	sadd.s32 s21, s4  }
0x9d: {  	[timem:s22], [sflag:s7] =	dma.local [hbm:s6], s5  }
0x9e: {  	_ =	swait.ge [sflag:s7], s5  }
0x9f: {  	s5 =	ssub.s32 $0x0, s5;
	[sflag:s7] =	ssyncset.done $0x0  }
0xa0: {  	[sflag:s7] =	ssyncadd.s32 s5;
	_ =	sdelay $0x1  }
0xa1: {  	s23 =	simm.s32 $0x1B8B  }
0xa2: {  	_ =	swait.ge [sflag:s23], $0x1  }
0xa3: {  	[sflag:s23] =	ssyncset.done $0x0  }
0xa4: {  	[sflag:s23] =	ssyncadd.s32 $0xFFFFFFFF  }
0xa5: {  	s5 =	sld [smem:$0x0]  }
0xa6: {  	s6 =	sand.u32 $0xFFFFFFFE, s1  }
0xa7: {  	p0 =	sne.s32 s1, s6  }
0xa8: {  	s6 =	sshll.u32 @p0 s6, $0xE  }
0xa9: {  	s6 =	sadd.s32 @p0 $0x11B8D, s6;
	s7 =	sshll.u32 @p0 s5, $0x11  }
0xaa: {  	s6 =	sor.u32 @p0 s7, s6  }
0xab: {  	[sflag:s6] =	ssyncadd.remote.s32 @p0 $0x1;
	_ =	sdelay $0x1  }
0xac: {  	s6 =	simm.s32 @p0 $0x1B8D  }
0xad: {  	_ =	swait.eq @p0 [sflag:s6], $0x1  }
0xae: {  	[sflag:s6] =	ssyncadd.s32 @p0 $0xFFFFFFFF  }
0xaf: {  	s7 =	sshll.u32 @!p0 s1, $0xE  }
0xb0: {  	s7 =	sor.u32 @!p0 $0x4000, s7;
	s6 =	simm.s32 @!p0 $0x1B8D  }
0xb1: {  	s5 =	sshll.u32 @!p0 s5, $0x11;
	s7 =	sadd.s32 @!p0 $0x11B8D, s7;
	_ =	swait.eq @!p0 [sflag:s6], $0x1  }
0xb2: {  	s5 =	sor.u32 @!p0 s5, s7;
	[sflag:s6] =	ssyncadd.s32 @!p0 $0xFFFFFFFF  }
0xb3: {  	s25 =	simm.s32 $0x1B8E;
	s24 =	sld [smem:$0x3FFE];
	[sflag:s5] =	ssyncadd.remote.s32 @!p0 $0x1  }
0xb4: {  	s26 =	simm.s32 $execute0_lowered;
	[smem:$0x3FD2] =	sst s25  }
0xb5: {  	s6 =	sshll.u32 s26, $0x1;
	_ =	strace $0x80000049;
	[dreg:$0x1] =	wrdreg $0xFFFFFFFF  }
0xb6: {  	s28 =	simm.s32 $_size_execute0_lowered;
	s4 =	sadd.s32 s4, s6;
	[dreg:$0x0] =	wrdreg $0x0  }
0xb7: {  	s6 =	sshll.u32 s28, $0x1;
	[dreg:$0x2] =	wrdreg s4  }
0xb8: {  	[dreg:$0x3] =	wrdreg s6  }
0xb9: {  	[dreg:$0x4] =	wrdreg $0xC0  }
0xba: {  	_ =	task [dreg:s22], $0x5FFFF  }
0xbb: {  	[dreg:$0x1] =	wrdreg $0xFFFFFFFF  }
0xbc: {  	[dreg:$0x0] =	wrdreg $0x60  }
0xbd: {  	[dreg:$0x2] =	wrdreg s18  }
0xbe: {  	[dreg:$0x3] =	wrdreg s24  }
0xbf: {  	[dreg:$0x4] =	wrdreg $0x9  }
0xc0: {  	_ =	task.clear_ibuf [dreg:s22], $0x5FFFF;
	_ =	strace $0x90000049  }
0xc1: {  	s29 =	simm.s32 $0x9;
	_ =	strace $0x8000004B  }
0xc2: {  	_ =	swait.ge [sflag:s29], $0x1  }
0xc3: {  	[sflag:s29] =	ssyncadd.s32 $0xFFFFFFFF  }
0xc4: {  	_ =	strace $0x9000004B  }
0xc5: {  	_ =	sfence  }
0xc6: {  	s30 =	sld [smem:$0x0];
	_ =	sdelay $0x2  }
0xc7: {  	s31 =	sshll.u32 s1, $0xD;
	s1 =	sshrl.u32 s1, $0x2  }
0xc8: {  	s4 =	sand.u32 $0x4000, s31;
	s1 =	sadd.s32 s1, s30  }
0xc9: {  	s0 =	sor.u32 s4, s0;
	s1 =	sshll.u32 s1, $0x11  }
0xca: {  	s0 =	sor.u32 s1, s0  }
0xcb: {  	s0 =	sadd.s32 $0x8F2B, s0  }
0xcc: {  	[sflag:s0] =	ssyncadd.remote.s32 $0x1  }
0xcd: {  	_ =	sfence.sel $0xFFFF  }
0xce: {  	[dreg:$0x0] =	wrdreg $0xFFFFFFFF;
	(pc) =	sbr.abs _section_cstart, $3  }
0xcf: {  	[dreg:$0x1] =	wrdreg $0xFFFFFFFF  }
0xd0: {  	_ =	task.clear_ibuf [dreg:s22], $0x2FFFF;
	_ =	strace $0x9FFFFFFF  }
0xd1: {  	(tm) =	ssettm $0x7FFFFFFF  }
tec
execute0_lowered:
.L_overlay_start_1:
0x0: {  	(tag) =	ssettag $0x1  }
0x1: {  	s4 =	rddreg [dreg:$0x0]  }
0x2: {  	s5 =	rddreg [dreg:$0x1]  }
0x3: {  	s0 =	rddreg [dreg:$0x2];
	s2 =	simm.s32 $0x0;
	s3 =	srdreg.scid  }
0x4: {  	s1 =	stileid.u32;
	s10 =	simm.s32 $0x0;
	s6 =	sand.u32 $0x1, s3  }
0x5: {  	[smem:$0x7FF] =	sst s2;
	s7 =	sshll.u32 s1, $0xA;
	s8 =	sshll.u32 s6, $0x9  }
0x6: {  	s3 =	sadd.s32 $0x1C00, s5;
	s6 =	ssub.s32 $0x2, s6;
	s7 =	sor.u32 s8, s7  }
0x7: {  	_ =	strace $0x8000004A;
	s9 =	sshrl.u32 s6, $0x1;
	s8 =	sshll.u32 s7, $0x4  }
0x8: {  	s7 =	sshrl.u32 s7, $0x3;
	s6 =	ssub.s32 s6, s9;
	s9 =	simm.s32 $0x1  }
0x9: {  	s5 =	sadd.s32 s8, s5;
	s4 =	sadd.s32 s4, s7;
	s6 =	smax.u32 s6, $0x1  }
0xa: {  	v0 =	vimm.s32 $0xFFF84000;
	s7 =	simm.s32 $0x2;
	s8 =	simm.s32 $0x200;
	s5 =	sadd.s32 $0x7C1C00, s5  }
.LBB2_1:
0xb: {  	[tilespmem:s2], [sflag:$0x2] =	stream.linear.gather [hbm4b:s4+s2], $0x200, $0x38;
	[tilespmem:$0x10200] =	vst v63  }
0xc: {  	_ =	swait.ge [sflag:s7], $0x200  }
0xd: {  	[sflag:s7] =	ssyncset.done $0x0  }
0xe: {  	s11 =	simm.s32 $0x0;
	s12 =	simm.s32 $0x40;
	[sflag:s7] =	ssyncadd.s32 $0xFFFFFE00  }
.LBB2_2:
0xf: {  	p0 =	sne.s32 s12, $0x7C0;
	v1 =	vld [tilespmem:s11+$0x0];
	_ =	sdelay $0x3  }
.Ltmp0:
0x10: {  	(pc) =	sbr.rel @p0 .LBB2_2-.Ltmp0, $4  }
0x11: {  	vm0 =	vlt.s32 v1, $0x7C000  }
0x12: {  	v2 =	vsel vm0, $0x0, v0  }
0x13: {  	v1 =	vadd.s32 v1, v2  }
0x14: {  	[tilespmem:s11+$0x0] =	vst v1;
	s11 =	sshra.s32 s12, $0x2;
	s12 =	sadd.s32 $0x40, s12  }
0x15: {  	v1 =	vld [tilespmem:s11+$0x0];
	_ =	sdelay $0x4  }
0x16: {  	vm0 =	vlt.s32 v1, $0x7C000  }
0x17: {  	v2 =	vsel vm0, $0x0, v0  }
0x18: {  	v1 =	vadd.s32 v1, v2  }
0x19: {  	[tilespmem:s11+$0x0] =	vst v1  }
0x1a: {  	[tilespmem:s8], [sflag:$0x1] =	stream.indirect.gather [hbm4b:s3+s8], $0x80, s2, s8, $0xb8;
	[tilespmem:$0x10200] =	vst v63  }
0x1b: {  	s10 =	sadd.s32 $0x1, s10;
	_ =	swait.ge [sflag:s9], $0x10000  }
0x1c: {  	p0 =	sne.s32 s10, s6;
	[sflag:s9] =	ssyncset.done $0x0  }
.Ltmp1:
0x1d: {  	[sflag:s9] =	ssyncadd.s32 $0xFFFF0000;
	(pc) =	sbr.rel @p0 .LBB2_1-.Ltmp1, $4  }
0x1e: {  	[hbm4b:s5+s2] =	stream.linear.scatter [tilespmem:s8], [sflag:$0x2], $0x10000, $0x38;
	[tilespmem:$0x10200] =	vst v63  }
0x1f: {  	_ =	swait.ge [sflag:s7], $0x10000  }
0x20: {  	[sflag:s7] =	ssyncset.done $0x0  }
0x21: {  	[sflag:s7] =	ssyncadd.s32 $0xFFFF0000  }
0x22: {  	_ =	sfence.sel $0x180000  }
0x23: {  	[bflag:$0x0] =	sbarrier.arrive $0xFFFF  }
0x24: {  	p0 =	sne.s32 s1, $0x0;
	_ =	strace $0x9000004A  }
0x25: {  	s0 =	sadd.s32 @!p0 $0x100000, s0;
	[bflag:$0x2] =	sbarrier.arrive $0xFFFF  }
0x26: {  	[sflag:s0] =	ssyncadd.tile.s32 @!p0 $0x1;
	_ =	shalt  }
.Lfunc_end2:
_tile_overlayer_lowered:
.L_overlay_start_2:
0x27: {  	(tag) =	ssettag $0x2  }
0x28: {  	s0 =	rddreg [dreg:$0x0];
	s2 =	stileid.u32  }
0x29: {  	s1 =	rddreg [dreg:$0x1];
	p0 =	sne.s32 s2, $0x0  }
0x2a: {  	s3 =	rddreg [dreg:$0x2];
	[bflag:$0x3] =	sbarrier.arrive $0xFFFF;
	s2 =	simm.s32 @!p0 $0x1C02  }
0x2b: {  	[timem:s3], [sflag:s2] =	dma.local @!p0 [hbm:s0], s1  }
0x2c: {  	s0 =	simm.s32 @!p0 $0x2  }
0x2d: {  	_ =	swait.ge @!p0 [sflag:s0], s1  }
0x2e: {  	s1 =	ssub.s32 @!p0 $0x0, s1;
	[sflag:s0] =	ssyncset.done @!p0 $0x0  }
0x2f: {  	[sflag:s0] =	ssyncadd.s32 @!p0 s1  }
0x30: {  	[bflag:$0x3] =	sbarrier.arrive $0xFFFF  }
0x31: {  	_ =	shalt  }

// kernel: kernel.8.cloned.1.call-start
scs
__scs_entry_jumppad:
0x0: {  	(pc) =	sbr.rel $0x88, $3  }
0x1: {  	(tag) =	ssettag $0x0;
	lr =	simm.s32 $0x1  }
0x2: {  	[smem:$0x3F9B] =	sst lr;
	_ =	strace $0xD0000000  }
0x3: {  	_ = 	snop  }
0x4: {  	_ = 	snop  }
0x5: {  	_ = 	snop  }
0x6: {  	_ = 	snop  }
0x7: {  	_ = 	snop  }
__scs_overlays_trampoline_lowered:
0x8: {  	[smem:$0x3FAA] =	sst s0  }
0x9: {  	[smem:$0x3FAB] =	sst s1  }
0xa: {  	[smem:$0x3FAC] =	sst s2  }
0xb: {  	[smem:$0x3FAD] =	sst s3  }
0xc: {  	[smem:$0x3FAE] =	sst s4  }
0xd: {  	[smem:$0x3FAF] =	sst s5  }
0xe: {  	[smem:$0x3FB0] =	sst s6  }
0xf: {  	[smem:$0x3FB1] =	sst s7  }
0x10: {  	[smem:$0x3FB2] =	sst s8  }
0x11: {  	[smem:$0x3FB3] =	sst s9;
	s0 =	simm.s32 @!p0 $0x0  }
0x12: {  	s1 =	sld [smem:$0x3F99];
	s0 =	simm.s32 @p0 $0x1  }
0x13: {  	[smem:$0x3FB4] =	sst s0;
	s0 =	simm.s32 @!p1 $0x0  }
0x14: {  	s2 =	sld [smem:$0x3F98];
	s0 =	simm.s32 @p1 $0x1  }
0x15: {  	[smem:$0x3FB5] =	sst s0;
	s0 =	simm.s32 @!p2 $0x0  }
0x16: {  	s3 =	sld [smem:$0x3FDB];
	s0 =	simm.s32 @p2 $0x1  }
0x17: {  	s4 =	simm.s32 $0x1BF5;
	[smem:$0x3FB7] =	sst s0  }
0x18: {  	s0 =	sld [smem:$0x3F9A];
	_ =	swait.ge [sflag:s4], $0x0  }
0x19: {  	s7 =	sld [smem:$0x3F9B]  }
0x1a: {  	s8 =	sadd.s32 $0xFFFFE003, lr  }
0x1b: {  	s9 =	sadd.s32 $0xFFFFFEF7, lr;
	s5 =	simm.s32 $0xFFFFFFFF;
	p2 =	slt.u32 s8, $0xFFFFF086  }
0x1c: {  	p1 =	slt.u32 s9, $0xF7A;
	s5 =	simm.s32 @!p2 $0x0  }
0x1d: {  	s5 =	simm.s32 @p1 $0x1;
	p0 =	seq.s32 s7, s2  }
0x1e: {  	s7 =	smul.u32 @!p0 $0xF7A, s2;
	p2 =	seq.s32 @!p0 s5, $0x0  }
0x1f: {  	s9 =	smul.u32 $0xF7A, s1;
	s8 =	simm.s32 @!p0 $0x1BF5;
	p2 =	por !p2, p0  }
0x20: {  	[sflag:s8] =	ssyncset.s32 @!p0 $0xFFFFF086;
	s6 =	sadd.s32 @!p0 s3, s7;
	s7 =	simm.s32 @!p0 $0x108  }
0x21: {  	s3 =	sadd.s32 s3, s9;
	s6 =	sadd.s32 @!p0 $0x88, s6;
	s7 =	simm.s32 @p2 $0x1082  }
0x22: {  	[simem:s7], [sflag:s8] =	dma.local @!p0 [hbm:s6], $0xF7A  }
0x23: {  	s9 =	sor.u32 $0xD0000000, s2;
	s6 =	simm.s32 $0x108;
	_ =	swait.ge @!p0 [sflag:s8], $0x0  }
0x24: {  	s3 =	sadd.s32 $0x88, s3;
	s6 =	simm.s32 @!p1 $0x1082;
	[sflag:s4] =	ssyncset.s32 $0xFFFFF086  }
0x25: {  	[simem:s6], [sflag:s4] =	dma.local [hbm:s3], $0xF7A  }
0x26: {  	[smem:$0x3F9B] =	sst s1;
	(tag) =	ssettag s2;
	_ =	strace s9  }
0x27: {  	s1 =	sld [smem:$0x3FAB]  }
0x28: {  	s2 =	sld [smem:$0x3FAC]  }
0x29: {  	s4 =	sld [smem:$0x3FAE]  }
0x2a: {  	p0 =	seq.s32 s5, $0x0;
	s5 =	sld [smem:$0x3FAF]  }
0x2b: {  	s6 =	sld [smem:$0x3FB0]  }
0x2c: {  	s7 =	sld [smem:$0x3FB1]  }
0x2d: {  	s3 =	simm.s32 $0x108;
	s8 =	sld [smem:$0x3FB2]  }
0x2e: {  	s3 =	simm.s32 @!p0 $0x1082;
	s9 =	sld [smem:$0x3FB3]  }
0x2f: {  	lr =	sadd.s32 s0, s3;
	s0 =	sld [smem:$0x3FAA]  }
0x30: {  	s3 =	sld [smem:$0x3FAD]  }
0x31: {  	[smem:$0x3FB6] =	sst s10  }
0x32: {  	s10 =	sld [smem:$0x3FB4];
	_ =	sdelay $0x3  }
0x33: {  	p0 =	seq.s32 s10, $0x1;
	s10 =	sld [smem:$0x3FB6];
	_ =	sdelay $0x3  }
0x34: {  	[smem:$0x3FB6] =	sst s10  }
0x35: {  	s10 =	sld [smem:$0x3FB5];
	_ =	sdelay $0x3  }
0x36: {  	p1 =	seq.s32 s10, $0x1;
	s10 =	sld [smem:$0x3FB6];
	_ =	sdelay $0x3  }
0x37: {  	[smem:$0x3FB6] =	sst s10  }
0x38: {  	s10 =	sld [smem:$0x3FB7]  }
0x39: {  	_ = 	snop;
	(pc) =	sbr.ind lr, $3  }
0x3a: {  	_ = 	snop  }
0x3b: {  	_ = 	snop  }
0x3c: {  	p2 =	seq.s32 s10, $0x1;
	s10 =	sld [smem:$0x3FB6]  }
0x3d: {  	_ =	shalt  }
0x3e: {  	_ =	shalt  }
0x3f: {  	_ =	shalt  }
0x40: {  	_ =	shalt  }
0x41: {  	_ =	shalt  }
0x42: {  	_ =	shalt  }
0x43: {  	_ =	shalt  }
0x44: {  	_ =	shalt  }
0x45: {  	_ =	shalt  }
0x46: {  	_ =	shalt  }
0x47: {  	_ =	shalt  }
0x48: {  	_ =	shalt  }
0x49: {  	_ =	shalt  }
0x4a: {  	_ =	shalt  }
0x4b: {  	_ =	shalt  }
0x4c: {  	_ =	shalt  }
0x4d: {  	_ =	shalt  }
0x4e: {  	_ =	shalt  }
0x4f: {  	_ =	shalt  }
0x50: {  	_ =	shalt  }
0x51: {  	_ =	shalt  }
0x52: {  	_ =	shalt  }
0x53: {  	_ =	shalt  }
0x54: {  	_ =	shalt  }
0x55: {  	_ =	shalt  }
0x56: {  	_ =	shalt  }
0x57: {  	_ =	shalt  }
0x58: {  	_ =	shalt  }
0x59: {  	_ =	shalt  }
0x5a: {  	_ =	shalt  }
0x5b: {  	_ =	shalt  }
0x5c: {  	_ =	shalt  }
0x5d: {  	_ =	shalt  }
0x5e: {  	_ =	shalt  }
0x5f: {  	_ =	shalt  }
0x60: {  	_ =	shalt  }
0x61: {  	_ =	shalt  }
0x62: {  	_ =	shalt  }
0x63: {  	_ =	shalt  }
0x64: {  	_ =	shalt  }
0x65: {  	_ =	shalt  }
0x66: {  	_ =	shalt  }
0x67: {  	_ =	shalt  }
0x68: {  	_ =	shalt  }
0x69: {  	_ =	shalt  }
0x6a: {  	_ =	shalt  }
0x6b: {  	_ =	shalt  }
0x6c: {  	_ =	shalt  }
0x6d: {  	_ =	shalt  }
0x6e: {  	_ =	shalt  }
0x6f: {  	_ =	shalt  }
0x70: {  	_ =	shalt  }
0x71: {  	_ =	shalt  }
0x72: {  	_ =	shalt  }
0x73: {  	_ =	shalt  }
0x74: {  	_ =	shalt  }
0x75: {  	_ =	shalt  }
0x76: {  	_ =	shalt  }
0x77: {  	_ =	shalt  }
0x78: {  	_ =	shalt  }
0x79: {  	_ =	shalt  }
0x7a: {  	_ =	shalt  }
0x7b: {  	_ =	shalt  }
0x7c: {  	_ =	shalt  }
0x7d: {  	_ =	shalt  }
0x7e: {  	_ =	shalt  }
0x7f: {  	_ =	shalt  }
0x80: {  	_ =	shalt  }
0x81: {  	_ =	shalt  }
0x82: {  	_ =	shalt  }
0x83: {  	_ =	shalt  }
0x84: {  	_ =	shalt  }
0x85: {  	_ =	shalt  }
0x86: {  	_ =	shalt  }
0x87: {  	_ =	shalt  }
.Lfunc_end0:
.L_simem_size_0:
called_computation_lowered:
.L_overlay_start_0:
0x88: {  	s2 =	sld [smem:$0x3FD9]  }
0x89: {  	s3 =	sld [smem:$0x3FFE];
	_ =	sdelay $0x1  }
0x8a: {  	s1 =	srdreg.scid  }
0x8b: {  	s0 =	sand.u32 $0x1, s1  }
0x8c: {  	s18 =	sshll.u32 s0, $0xA;
	s2 =	sadd.s32 s3, s2  }
0x8d: {  	s2 =	sadd.s32 s2, s18  }
0x8e: {  	[smem:$0x3FC2] =	sst s2  }
0x8f: {  	_ = 	snop  }
0x90: {  	s2 =	sld [smem:$0x3FC8]  }
0x91: {  	s19 =	sld [smem:$0x3FC4]  }
0x92: {  	s4 =	sld [smem:$0x3FD0];
	(tm) =	ssettm $0x1  }
0x93: {  	s5 =	sld [smem:$0x3FFB];
	_ =	sdelay $0x3  }
0x94: {  	_ =	strace s5  }
0x95: {  	s5 =	sld [smem:$0x3FFC];
	_ =	sdelay $0x3  }
0x96: {  	_ =	strace s5  }
0x97: {  	s5 =	sld [smem:$0x3FFD];
	_ =	sdelay $0x3  }
0x98: {  	_ =	strace s5  }
0x99: {  	_ =	strace $0x8FFFFFFF  }
0x9a: {  	s20 =	sld [smem:$0x3FDB];
	_ =	sdelay $0x1  }
0x9b: {  	s6 =	simm.s32 $_scs_section_size  }
0x9c: {  	s7 =	simm.s32 $_size__tile_overlayer_lowered;
	s8 =	simm.s32 $_tile_overlayer_lowered  }
0x9d: {  	s23 =	simm.s32 $0x1BFF;
	s22 =	sshll.u32 s8, $0x1;
	s5 =	sadd.s32 s6, s20  }
0x9e: {  	s9 =	simm.s32 $0x0;
	s21 =	sshll.u32 s7, $0x1;
	s7 =	sadd.s32 s22, s5  }
0x9f: {  	[timem:s9], [sflag:s23] =	dma.local [hbm:s7], s21  }
0xa0: {  	_ =	swait.ge [sflag:s23], s21  }
0xa1: {  	s6 =	ssub.s32 $0x0, s21;
	[sflag:s23] =	ssyncset.done $0x0  }
0xa2: {  	[sflag:s23] =	ssyncadd.s32 s6;
	_ =	sdelay $0x1  }
0xa3: {  	s24 =	simm.s32 $0x1B8B  }
0xa4: {  	_ =	swait.ge [sflag:s24], $0x1  }
0xa5: {  	[sflag:s24] =	ssyncset.done $0x0  }
0xa6: {  	s25 =	simm.s32 $0x1B8E;
	[sflag:s24] =	ssyncadd.s32 $0xFFFFFFFF  }
0xa7: {  	s26 =	simm.s32 $execute0_lowered;
	[smem:$0x3FD2] =	sst s25  }
0xa8: {  	s6 =	sshll.u32 s26, $0x1;
	_ =	strace $0x80000046;
	[dreg:$0x1] =	wrdreg $0xFFFFFFFF  }
0xa9: {  	s28 =	simm.s32 $_size_execute0_lowered;
	s5 =	sadd.s32 s5, s6;
	[dreg:$0x0] =	wrdreg $0x0  }
0xaa: {  	s6 =	sshll.u32 s28, $0x1;
	[dreg:$0x2] =	wrdreg s5  }
0xab: {  	[dreg:$0x3] =	wrdreg s6  }
0xac: {  	[dreg:$0x4] =	wrdreg $0xC0  }
0xad: {  	_ =	task [dreg:s9], $0x5FFFF  }
0xae: {  	[dreg:$0x1] =	wrdreg $0xFFFFFFFF  }
0xaf: {  	[dreg:$0x0] =	wrdreg $0x60  }
0xb0: {  	[dreg:$0x2] =	wrdreg s2  }
0xb1: {  	[dreg:$0x3] =	wrdreg s19  }
0xb2: {  	[dreg:$0x4] =	wrdreg s4  }
0xb3: {  	[dreg:$0x5] =	wrdreg $0xA  }
0xb4: {  	_ =	task.clear_ibuf [dreg:s9], $0x6FFFF;
	_ =	strace $0x90000046  }
0xb5: {  	s29 =	simm.s32 $0xA;
	_ =	strace $0x80000048  }
0xb6: {  	_ =	swait.ge [sflag:s29], $0x1  }
0xb7: {  	[sflag:s29] =	ssyncadd.s32 $0xFFFFFFFF  }
0xb8: {  	_ =	strace $0x90000048  }
0xb9: {  	_ =	sfence  }
0xba: {  	s30 =	sld [smem:$0x0];
	_ =	sdelay $0x2  }
0xbb: {  	s31 =	sshll.u32 s1, $0xD;
	s1 =	sshrl.u32 s1, $0x2  }
0xbc: {  	s3 =	sand.u32 $0x4000, s31;
	s1 =	sadd.s32 s1, s30  }
0xbd: {  	s0 =	sor.u32 s3, s0;
	s1 =	sshll.u32 s1, $0x11  }
0xbe: {  	s0 =	sor.u32 s1, s0  }
0xbf: {  	s0 =	sadd.s32 $0x8F2B, s0  }
0xc0: {  	[sflag:s0] =	ssyncadd.remote.s32 $0x1  }
0xc1: {  	_ =	sfence.sel $0xFFFF  }
0xc2: {  	[dreg:$0x0] =	wrdreg $0xFFFFFFFF;
	(pc) =	sbr.abs _section_cstart, $3  }
0xc3: {  	[dreg:$0x1] =	wrdreg $0xFFFFFFFF  }
0xc4: {  	_ =	task.clear_ibuf [dreg:s9], $0x2FFFF;
	_ =	strace $0x9FFFFFFF  }
0xc5: {  	(tm) =	ssettm $0x7FFFFFFF  }
tec
execute0_lowered:
.L_overlay_start_1:
0x0: {  	(tag) =	ssettag $0x1  }
0x1: {  	s4 =	rddreg [dreg:$0x0]  }
0x2: {  	s2 =	rddreg [dreg:$0x1]  }
0x3: {  	s8 =	rddreg [dreg:$0x2];
	s3 =	srdreg.scid  }
0x4: {  	s0 =	rddreg [dreg:$0x3];
	s1 =	stileid.u32;
	s6 =	sand.u32 $0x1, s3  }
0x5: {  	s3 =	simm.s32 $0x0;
	s5 =	sshll.u32 s1, $0x7;
	s7 =	sshll.u32 s6, $0x6  }
0x6: {  	[smem:$0x7FF] =	sst s3;
	s10 =	ssub.s32 $0x2, s6;
	s9 =	sor.u32 s7, s5  }
0x7: {  	_ =	strace $0x80000047;
	s5 =	sadd.s32 s4, s9;
	s4 =	simm.s32 $0x2  }
0x8: {  	[tilespmem:s3], [sflag:$0x2] =	stream.linear.gather [hbm4b:s5+s3], $0x200, $0x38;
	[tilespmem:$0x400] =	vst v63  }
0x9: {  	s11 =	sshrl.u32 s10, $0x1;
	_ =	swait.ge [sflag:s4], $0x200  }
0xa: {  	s6 =	simm.s32 $0x200;
	s10 =	ssub.s32 s10, s11;
	[sflag:s4] =	ssyncset.done $0x0  }
0xb: {  	s7 =	simm.s32 $0x1;
	s31 =	smax.u32 s10, $0x1;
	[sflag:s4] =	ssyncadd.s32 $0xFFFFFE00  }
0xc: {  	[tilespmem:s6], [sflag:$0x1] =	stream.indirect.gather [hbm4b:s2+s6], $0x1, s3, s6, $0xb8;
	[tilespmem:$0x400] =	vst v63  }
0xd: {  	p0 =	sne.s32 s31, $0x1;
	_ =	swait.ge [sflag:s7], $0x200  }
.Ltmp0:
0xe: {  	[sflag:s7] =	ssyncset.done $0x0;
	(pc) =	sbr.rel @!p0 .LBB2_2-.Ltmp0, $4  }
0xf: {  	s8 =	sadd.s32 s8, s9;
	[sflag:s7] =	ssyncadd.s32 $0xFFFFFE00  }
0x10: {  	[hbm4b:s8+s3] =	stream.linear.scatter [tilespmem:s6], [sflag:$0x2], $0x200, $0x38;
	[tilespmem:$0x400] =	vst v63  }
0x11: {  	_ =	swait.ge [sflag:s4], $0x200  }
0x12: {  	s9 =	sadd.s32 $0xFFFFFFFF, s31;
	[sflag:s4] =	ssyncset.done $0x0  }
.LBB2_1:
0x13: {  	p0 =	sne.s32 s9, $0x1;
	s9 =	sadd.s32 $0xFFFFFFFF, s9;
	[sflag:s4] =	ssyncadd.s32 $0xFFFFFE00  }
0x14: {  	[tilespmem:s3], [sflag:$0x2] =	stream.linear.gather [hbm4b:s5+s3], $0x200, $0x38;
	[tilespmem:$0x400] =	vst v63  }
0x15: {  	_ =	swait.ge [sflag:s4], $0x200  }
0x16: {  	[sflag:s4] =	ssyncset.done $0x0  }
0x17: {  	[sflag:s4] =	ssyncadd.s32 $0xFFFFFE00  }
0x18: {  	[tilespmem:s6], [sflag:$0x1] =	stream.indirect.gather [hbm4b:s2+s6], $0x1, s3, s6, $0xb8;
	[tilespmem:$0x400] =	vst v63  }
0x19: {  	_ =	swait.ge [sflag:s7], $0x200  }
.Ltmp1:
0x1a: {  	[sflag:s7] =	ssyncset.done $0x0;
	(pc) =	sbr.rel @p0 .LBB2_1-.Ltmp1, $4  }
0x1b: {  	[sflag:s7] =	ssyncadd.s32 $0xFFFFFE00  }
0x1c: {  	[hbm4b:s8+s3] =	stream.linear.scatter [tilespmem:s6], [sflag:$0x2], $0x200, $0x38;
	[tilespmem:$0x400] =	vst v63  }
0x1d: {  	_ =	swait.ge [sflag:s4], $0x200  }
0x1e: {  	[sflag:s4] =	ssyncset.done $0x0  }
.LBB2_2:
0x1f: {  	[sflag:s4] =	ssyncadd.s32 $0xFFFFFE00  }
0x20: {  	_ =	sfence.sel $0x180000  }
0x21: {  	[bflag:$0x0] =	sbarrier.arrive $0xFFFF  }
0x22: {  	p0 =	sne.s32 s1, $0x0;
	_ =	strace $0x90000047  }
0x23: {  	s0 =	sadd.s32 @!p0 $0x100000, s0;
	[bflag:$0x2] =	sbarrier.arrive $0xFFFF  }
0x24: {  	[sflag:s0] =	ssyncadd.tile.s32 @!p0 $0x1;
	_ =	shalt  }
.Lfunc_end2:
_tile_overlayer_lowered:
.L_overlay_start_2:
0x25: {  	(tag) =	ssettag $0x2  }
0x26: {  	s0 =	rddreg [dreg:$0x0];
	s2 =	stileid.u32  }
0x27: {  	s1 =	rddreg [dreg:$0x1];
	p0 =	sne.s32 s2, $0x0  }
0x28: {  	s3 =	rddreg [dreg:$0x2];
	[bflag:$0x3] =	sbarrier.arrive $0xFFFF;
	s2 =	simm.s32 @!p0 $0x1C02  }
0x29: {  	[timem:s3], [sflag:s2] =	dma.local @!p0 [hbm:s0], s1  }
0x2a: {  	s0 =	simm.s32 @!p0 $0x2  }
0x2b: {  	_ =	swait.ge @!p0 [sflag:s0], s1  }
0x2c: {  	s1 =	ssub.s32 @!p0 $0x0, s1;
	[sflag:s0] =	ssyncset.done @!p0 $0x0  }
0x2d: {  	[sflag:s0] =	ssyncadd.s32 @!p0 s1  }
0x2e: {  	[bflag:$0x3] =	sbarrier.arrive $0xFFFF  }
0x2f: {  	_ =	shalt  }

</sc_bundles>
